<compile_context>
chip_gen: v7x
topology: tpu7x:2x2x1
jax: 0.10.2.dev20260603
libtpu: 0.0.44.dev20260713+nightly
codegen_flags: <defaults>
</compile_context>

<pallas_src>
import functools

import jax
import jax.numpy as jnp
from jax import lax
from jax.experimental import pallas as pl
from jax.experimental.pallas import tpu as pltpu
from jax.experimental.pallas import tpu_sc as plsc

NUM_CATEGORIES = 100000
N = 8388608

_NC = 2
_NS = 16
_NW = _NC * _NS
_PER = N // _NW
_CHUNK = 4096
_NBUF = 3
_NCHUNK = _PER // _CHUNK
_L = 16
_HPAD = 100000
_UNROLL = 8


def _sc_hist_body(data_hbm, weights_hbm, out_hbm, wsum_hbm, hist, sumv,
                  d0, d1, d2, w0, w1, w2, *sems):
    dbufs = (d0, d1, d2)
    wbufs = (w0, w1, w2)
    wid = lax.axis_index("s") * _NC + lax.axis_index("c")
    base = wid * _PER

    def start_fetch(slot, c):
        off = base + c * _CHUNK
        pltpu.async_copy(data_hbm.at[pl.ds(off, _CHUNK)],
                         dbufs[slot], sems[2 * slot])
        pltpu.async_copy(weights_hbm.at[pl.ds(off, _CHUNK)],
                         wbufs[slot], sems[2 * slot + 1])

    def wait_fetch(slot):
        pltpu.make_async_copy(data_hbm.at[pl.ds(0, _CHUNK)], dbufs[slot],
                              sems[2 * slot]).wait()
        pltpu.make_async_copy(weights_hbm.at[pl.ds(0, _CHUNK)], wbufs[slot],
                              sems[2 * slot + 1]).wait()

    def scatter_chunk(slot, accs):
        @plsc.parallel_loop(0, _CHUNK, step=_L, unroll=_UNROLL, carry=accs)
        def _scatter_body(i, a):
            s = pl.ds(i, _L)
            w = wbufs[slot][s]
            plsc.addupdate_scatter(hist, [dbufs[slot][s]], w)
            return a[1:] + (a[0] + w,)

        return _scatter_body

    for b in range(_NBUF):
        start_fetch(b, b)

    zeros = jnp.zeros((_L,), jnp.float32)

    @plsc.parallel_loop(0, _HPAD, step=_L, unroll=10)
    def _zero_body(i):
        hist[pl.ds(i, _L)] = zeros

    _NFULL = (_NCHUNK - _NBUF) // _NBUF - 1

    def ring_body(t, accs):
        c = _NBUF * t
        for b in range(_NBUF):
            wait_fetch(b)
            accs = scatter_chunk(b, accs)
            start_fetch(b, c + _NBUF + b)
        return accs

    accs = tuple(jnp.zeros((_L,), jnp.float32) for _ in range(8))
    accs = lax.fori_loop(0, _NFULL + 1, ring_body, accs)

    wait_fetch(0)
    accs = scatter_chunk(0, accs)
    start_fetch(0, _NCHUNK - 1)
    for b in range(1, _NBUF):
        wait_fetch(b)
        accs = scatter_chunk(b, accs)
    wait_fetch(0)
    accs = scatter_chunk(0, accs)

    acc = ((accs[0] + accs[1]) + (accs[2] + accs[3])) + \
          ((accs[4] + accs[5]) + (accs[6] + accs[7]))
    sumv[...] = acc
    pltpu.sync_copy(hist, out_hbm.at[wid])
    pltpu.sync_copy(sumv, wsum_hbm.at[wid])


_sc_hist = functools.partial(
    pl.kernel,
    out_type=(jax.ShapeDtypeStruct((_NW, _HPAD), jnp.float32),
              jax.ShapeDtypeStruct((_NW, _L), jnp.float32)),
    mesh=plsc.VectorSubcoreMesh(core_axis_name="c", subcore_axis_name="s"),
    compiler_params=pltpu.CompilerParams(needs_layout_passes=False),
    scratch_types=[
        pltpu.VMEM((_HPAD,), jnp.float32),
        pltpu.VMEM((_L,), jnp.float32),
    ] + [pltpu.VMEM((_CHUNK,), jnp.int32)] * _NBUF
      + [pltpu.VMEM((_CHUNK,), jnp.float32)] * _NBUF
      + [pltpu.SemaphoreType.DMA] * (2 * _NBUF),
)(_sc_hist_body)


_TCB = 49152


def _tc_reduce_body(parts_ref, wsums_ref, out_ref, tot_ref):
    @pl.when(pl.program_id(0) == 0)
    def _():
        tot_ref[0] = jnp.sum(wsums_ref[...])

    s = jnp.sum(parts_ref[...], axis=0)
    out_ref[...] = jnp.log(s / tot_ref[0])


_tc_reduce = pl.pallas_call(
    _tc_reduce_body,
    grid=((NUM_CATEGORIES + _TCB - 1) // _TCB,),
    in_specs=[
        pl.BlockSpec((_NW, _TCB), lambda g: (0, g)),
        pl.BlockSpec((_NW, _L), lambda g: (0, 0)),
    ],
    out_specs=pl.BlockSpec((_TCB,), lambda g: (g,)),
    out_shape=jax.ShapeDtypeStruct((NUM_CATEGORIES,), jnp.float32),
    scratch_shapes=[pltpu.SMEM((1,), jnp.float32)],
)


def kernel(data, weights):
    parts, wsums = _sc_hist(data, weights)
    return _tc_reduce(parts, wsums)

# --- scband reference (transcript-rebuilt; emitter-appended) ---
"""Pipeline reference for scband-mixture-distribution-59614146069107 (READ-ONLY COPY).

The authoritative reference and input builder live on the scoring server;
editing this copy changes nothing except your own understanding.
"""

import jax, jax.numpy as jnp
import numpy as np

NUM_CATEGORIES = 100000
N = 8388608


def setup_inputs(seed: int = 0) -> dict:
    key = jax.random.key(seed)
    k1, k2 = jax.random.split(key)
    data = jax.random.randint(k1, (N,), 0, NUM_CATEGORIES, dtype=jnp.int32)
    weights = jax.random.uniform(k2, (N,), dtype=jnp.float32)
    return {"data": data, "weights": weights}


def reference(data, weights):
    # MixtureDistribution.add_to_counts: weighted scatter-add histogram
    # self.categorical_counts_.index_add_(0, data, weights.float())
    counts = jnp.zeros((NUM_CATEGORIES,), dtype=jnp.float32).at[data].add(weights)
    # MixtureDistribution.compute_categorical_log_probs:
    # log(counts / sum(counts))
    sum_of_counts = jnp.sum(counts)
    log_probs = jnp.log(counts / sum_of_counts)
    return log_probs

if __name__ == "__main__":
    import jax
    _d = setup_inputs()
    print(jax.jit(kernel)(*tuple(_d.values())))

</pallas_src>

<mosaic_0001>
#map = affine_map<(d0, d1) -> (0)>
#map1 = affine_map<(d0, d1) -> (0, 0)>
module attributes {stable_mosaic.version = 14 : i64} {
  func.func @_sc_hist_body(%arg0: i32, %arg1: i32, %arg2: memref<8388608xi32, #tpu.memory_space<hbm>>, %arg3: memref<8388608xf32, #tpu.memory_space<hbm>>, %arg4: memref<32x100000xf32, #tpu.memory_space<hbm>>, %arg5: memref<32x16xf32, #tpu.memory_space<hbm>>, %arg6: memref<100000xf32, #tpu.memory_space<vmem>>, %arg7: memref<16xf32, #tpu.memory_space<vmem>>, %arg8: memref<4096xi32, #tpu.memory_space<vmem>>, %arg9: memref<4096xi32, #tpu.memory_space<vmem>>, %arg10: memref<4096xi32, #tpu.memory_space<vmem>>, %arg11: memref<4096xf32, #tpu.memory_space<vmem>>, %arg12: memref<4096xf32, #tpu.memory_space<vmem>>, %arg13: memref<4096xf32, #tpu.memory_space<vmem>>, %arg14: memref<!tpu.dma_semaphore, #tpu.memory_space<semaphore_mem>>, %arg15: memref<!tpu.dma_semaphore, #tpu.memory_space<semaphore_mem>>, %arg16: memref<!tpu.dma_semaphore, #tpu.memory_space<semaphore_mem>>, %arg17: memref<!tpu.dma_semaphore, #tpu.memory_space<semaphore_mem>>, %arg18: memref<!tpu.dma_semaphore, #tpu.memory_space<semaphore_mem>>, %arg19: memref<!tpu.dma_semaphore, #tpu.memory_space<semaphore_mem>>) attributes {dimension_semantics = [#tpu.dimension_semantics<core_parallel>, #tpu.dimension_semantics<subcore_parallel>], iteration_bounds = array<i64: 2, 16>, scalar_prefetch = 0 : i64, scratch_operands = 14 : i64, tpu.core_type = #tpu.core_type<sc_vector_subcore>, window_params = [{transform_indices = #map}, {transform_indices = #map}, {transform_indices = #map1}, {transform_indices = #map1}]} {
    %mul3A = arith.constant 2 : i32
    %mul3A_0 = arith.muli %arg1, %mul3A : i32
    %add3A = arith.addi %mul3A_0, %arg0 : i32
    %mul3A_1 = arith.constant 262144 : i32
    %mul3A_2 = arith.muli %add3A, %mul3A_1 : i32
    %add3A_3 = arith.constant 0 : i32
    %add3A_4 = arith.addi %mul3A_2, %add3A_3 : i32
    %dma_start3A = tpu.memref_slice %arg2[%add3A_4] : memref<8388608xi32, #tpu.memory_space<hbm>> -> memref<4096xi32, #tpu.memory_space<hbm>>
    %dma_start3A_5 = tpu.memref_slice %arg2[%add3A_4] : memref<8388608xi32, #tpu.memory_space<hbm>> -> memref<4096xi32, #tpu.memory_space<hbm>>
    tpu.enqueue_dma source(%dma_start3A_5 : memref<4096xi32, #tpu.memory_space<hbm>>) target(%arg8 : memref<4096xi32, #tpu.memory_space<vmem>>) target_semaphore(%arg14 : memref<!tpu.dma_semaphore, #tpu.memory_space<semaphore_mem>>)
    %dma_start3A_6 = tpu.memref_slice %arg3[%add3A_4] : memref<8388608xf32, #tpu.memory_space<hbm>> -> memref<4096xf32, #tpu.memory_space<hbm>>
    %dma_start3A_7 = tpu.memref_slice %arg3[%add3A_4] : memref<8388608xf32, #tpu.memory_space<hbm>> -> memref<4096xf32, #tpu.memory_space<hbm>>
    tpu.enqueue_dma source(%dma_start3A_7 : memref<4096xf32, #tpu.memory_space<hbm>>) target(%arg11 : memref<4096xf32, #tpu.memory_space<vmem>>) target_semaphore(%arg15 : memref<!tpu.dma_semaphore, #tpu.memory_space<semaphore_mem>>)
    %add3A_8 = arith.constant 4096 : i32
    %add3A_9 = arith.addi %mul3A_2, %add3A_8 : i32
    %dma_start3A_10 = tpu.memref_slice %arg2[%add3A_9] : memref<8388608xi32, #tpu.memory_space<hbm>> -> memref<4096xi32, #tpu.memory_space<hbm>>
    %dma_start3A_11 = tpu.memref_slice %arg2[%add3A_9] : memref<8388608xi32, #tpu.memory_space<hbm>> -> memref<4096xi32, #tpu.memory_space<hbm>>
    tpu.enqueue_dma source(%dma_start3A_11 : memref<4096xi32, #tpu.memory_space<hbm>>) target(%arg9 : memref<4096xi32, #tpu.memory_space<vmem>>) target_semaphore(%arg16 : memref<!tpu.dma_semaphore, #tpu.memory_space<semaphore_mem>>)
    %dma_start3A_12 = tpu.memref_slice %arg3[%add3A_9] : memref<8388608xf32, #tpu.memory_space<hbm>> -> memref<4096xf32, #tpu.memory_space<hbm>>
    %dma_start3A_13 = tpu.memref_slice %arg3[%add3A_9] : memref<8388608xf32, #tpu.memory_space<hbm>> -> memref<4096xf32, #tpu.memory_space<hbm>>
    tpu.enqueue_dma source(%dma_start3A_13 : memref<4096xf32, #tpu.memory_space<hbm>>) target(%arg12 : memref<4096xf32, #tpu.memory_space<vmem>>) target_semaphore(%arg17 : memref<!tpu.dma_semaphore, #tpu.memory_space<semaphore_mem>>)
    %add3A_14 = arith.constant 8192 : i32
    %add3A_15 = arith.addi %mul3A_2, %add3A_14 : i32
    %dma_start3A_16 = tpu.memref_slice %arg2[%add3A_15] : memref<8388608xi32, #tpu.memory_space<hbm>> -> memref<4096xi32, #tpu.memory_space<hbm>>
    %dma_start3A_17 = tpu.memref_slice %arg2[%add3A_15] : memref<8388608xi32, #tpu.memory_space<hbm>> -> memref<4096xi32, #tpu.memory_space<hbm>>
    tpu.enqueue_dma source(%dma_start3A_17 : memref<4096xi32, #tpu.memory_space<hbm>>) target(%arg10 : memref<4096xi32, #tpu.memory_space<vmem>>) target_semaphore(%arg18 : memref<!tpu.dma_semaphore, #tpu.memory_space<semaphore_mem>>)
    %dma_start3A_18 = tpu.memref_slice %arg3[%add3A_15] : memref<8388608xf32, #tpu.memory_space<hbm>> -> memref<4096xf32, #tpu.memory_space<hbm>>
    %dma_start3A_19 = tpu.memref_slice %arg3[%add3A_15] : memref<8388608xf32, #tpu.memory_space<hbm>> -> memref<4096xf32, #tpu.memory_space<hbm>>
    tpu.enqueue_dma source(%dma_start3A_19 : memref<4096xf32, #tpu.memory_space<hbm>>) target(%arg13 : memref<4096xf32, #tpu.memory_space<vmem>>) target_semaphore(%arg19 : memref<!tpu.dma_semaphore, #tpu.memory_space<semaphore_mem>>)
    %broadcast_in_dim3A = arith.constant 0.000000e+00 : f32
    %broadcast_in_dim3A_20 = vector.broadcast %broadcast_in_dim3A : f32 to vector<16xf32>
    %parallel_loop3A = arith.constant 0 : i32
    %parallel_loop3A_21 = arith.constant 100000 : i32
    %parallel_loop3A_22 = arith.constant 16 : i32
    scf.for %parallel_loop3A_105 = %parallel_loop3A to %parallel_loop3A_21 step %parallel_loop3A_22  : i32 {
      %parallel_loop3A_106 = arith.index_cast %parallel_loop3A_105 : i32 to index
      %parallel_loop3A_107 = tpu.vector_load %arg6[%parallel_loop3A_106] {strides = array<i32>} : memref<100000xf32, #tpu.memory_space<vmem>>, vector<16xf32>,
      tpu.vector_store %arg6[%parallel_loop3A_106], %broadcast_in_dim3A_20 {strides = array<i32>} : memref<100000xf32, #tpu.memory_space<vmem>>, vector<16xf32>,
    } {sc.loop_unroll_factor = 10 : i64, sc.parallel_access}
    %broadcast_in_dim3A_23 = arith.constant 0.000000e+00 : f32
    %broadcast_in_dim3A_24 = vector.broadcast %broadcast_in_dim3A_23 : f32 to vector<16xf32>
    %broadcast_in_dim3A_25 = arith.constant 0.000000e+00 : f32
    %broadcast_in_dim3A_26 = vector.broadcast %broadcast_in_dim3A_25 : f32 to vector<16xf32>
    %broadcast_in_dim3A_27 = arith.constant 0.000000e+00 : f32
    %broadcast_in_dim3A_28 = vector.broadcast %broadcast_in_dim3A_27 : f32 to vector<16xf32>
    %broadcast_in_dim3A_29 = arith.constant 0.000000e+00 : f32
    %broadcast_in_dim3A_30 = vector.broadcast %broadcast_in_dim3A_29 : f32 to vector<16xf32>
    %broadcast_in_dim3A_31 = arith.constant 0.000000e+00 : f32
    %broadcast_in_dim3A_32 = vector.broadcast %broadcast_in_dim3A_31 : f32 to vector<16xf32>
    %broadcast_in_dim3A_33 = arith.constant 0.000000e+00 : f32
    %broadcast_in_dim3A_34 = vector.broadcast %broadcast_in_dim3A_33 : f32 to vector<16xf32>
    %broadcast_in_dim3A_35 = arith.constant 0.000000e+00 : f32
    %broadcast_in_dim3A_36 = vector.broadcast %broadcast_in_dim3A_35 : f32 to vector<16xf32>
    %broadcast_in_dim3A_37 = arith.constant 0.000000e+00 : f32
    %broadcast_in_dim3A_38 = vector.broadcast %broadcast_in_dim3A_37 : f32 to vector<16xf32>
    %scan3A = arith.constant 0 : i32
    %scan3A_39 = arith.constant 20 : i32
    %scan3A_40 = arith.addi %scan3A, %scan3A_39 : i32
    %scan3A_41 = arith.constant 1 : i32
    %scan3A_42:8 = scf.for %scan3A_105 = %scan3A to %scan3A_40 step %scan3A_41 iter_args(%scan3A_106 = %broadcast_in_dim3A_24, %scan3A_107 = %broadcast_in_dim3A_26, %scan3A_108 = %broadcast_in_dim3A_28, %scan3A_109 = %broadcast_in_dim3A_30, %scan3A_110 = %broadcast_in_dim3A_32, %scan3A_111 = %broadcast_in_dim3A_34, %scan3A_112 = %broadcast_in_dim3A_36, %scan3A_113 = %broadcast_in_dim3A_38) -> (vector<16xf32>, vector<16xf32>, vector<16xf32>, vector<16xf32>, vector<16xf32>, vector<16xf32>, vector<16xf32>, vector<16xf32>)  : i32 {
      %mul3A_114 = arith.constant 3 : i32
      %mul3A_115 = arith.muli %mul3A_114, %scan3A_105 : i32
      %dma_wait3A_116 = arith.constant 0 : i32
      %dma_wait3A_117 = tpu.memref_slice %arg2[%dma_wait3A_116] : memref<8388608xi32, #tpu.memory_space<hbm>> -> memref<4096xi32, #tpu.memory_space<hbm>>
      %dma_wait3A_118 = arith.constant 0 : i32
      %dma_wait3A_119 = tpu.memref_slice %arg2[%dma_wait3A_118] : memref<8388608xi32, #tpu.memory_space<hbm>> -> memref<4096xi32, #tpu.memory_space<hbm>>
      tpu.wait_dma2 semaphore(%arg14 : memref<!tpu.dma_semaphore, #tpu.memory_space<semaphore_mem>>) src(%dma_wait3A_119 : memref<4096xi32, #tpu.memory_space<hbm>>) dst(%arg8 : memref<4096xi32, #tpu.memory_space<vmem>>)
      %dma_wait3A_120 = arith.constant 0 : i32
      %dma_wait3A_121 = tpu.memref_slice %arg3[%dma_wait3A_120] : memref<8388608xf32, #tpu.memory_space<hbm>> -> memref<4096xf32, #tpu.memory_space<hbm>>
      %dma_wait3A_122 = arith.constant 0 : i32
      %dma_wait3A_123 = tpu.memref_slice %arg3[%dma_wait3A_122] : memref<8388608xf32, #tpu.memory_space<hbm>> -> memref<4096xf32, #tpu.memory_space<hbm>>
      tpu.wait_dma2 semaphore(%arg15 : memref<!tpu.dma_semaphore, #tpu.memory_space<semaphore_mem>>) src(%dma_wait3A_123 : memref<4096xf32, #tpu.memory_space<hbm>>) dst(%arg11 : memref<4096xf32, #tpu.memory_space<vmem>>)
      %parallel_loop3A_124 = arith.constant 0 : i32
      %parallel_loop3A_125 = arith.constant 4096 : i32
      %parallel_loop3A_126 = arith.constant 16 : i32
      %parallel_loop3A_127:8 = scf.for %parallel_loop3A_185 = %parallel_loop3A_124 to %parallel_loop3A_125 step %parallel_loop3A_126 iter_args(%parallel_loop3A_186 = %scan3A_106, %parallel_loop3A_187 = %scan3A_107, %parallel_loop3A_188 = %scan3A_108, %parallel_loop3A_189 = %scan3A_109, %parallel_loop3A_190 = %scan3A_110, %parallel_loop3A_191 = %scan3A_111, %parallel_loop3A_192 = %scan3A_112, %parallel_loop3A_193 = %scan3A_113) -> (vector<16xf32>, vector<16xf32>, vector<16xf32>, vector<16xf32>, vector<16xf32>, vector<16xf32>, vector<16xf32>, vector<16xf32>)  : i32 {
        %parallel_loop3A_194 = arith.index_cast %parallel_loop3A_185 : i32 to index
        %parallel_loop3A_195 = tpu.vector_load %arg11[%parallel_loop3A_194] {strides = array<i32>} : memref<4096xf32, #tpu.memory_space<vmem>>, vector<16xf32>,
        %parallel_loop3A_196 = arith.index_cast %parallel_loop3A_185 : i32 to index
        %parallel_loop3A_197 = tpu.vector_load %arg8[%parallel_loop3A_196] {strides = array<i32>} : memref<4096xi32, #tpu.memory_space<vmem>>, vector<16xi32>,
        tpu.vector_store_idx %arg6[%parallel_loop3A_197], %parallel_loop3A_195 {add = true} : memref<100000xf32, #tpu.memory_space<vmem>>[vector<16xi32>], vector<16xf32>,
        %parallel_loop3A_198 = arith.addf %parallel_loop3A_186, %parallel_loop3A_195 : vector<16xf32>
        scf.yield %parallel_loop3A_187, %parallel_loop3A_188, %parallel_loop3A_189, %parallel_loop3A_190, %parallel_loop3A_191, %parallel_loop3A_192, %parallel_loop3A_193, %parallel_loop3A_198 : vector<16xf32>, vector<16xf32>, vector<16xf32>, vector<16xf32>, vector<16xf32>, vector<16xf32>, vector<16xf32>, vector<16xf32>
      } {sc.loop_unroll_factor = 8 : i64, sc.parallel_access}
      %add3A_128 = arith.constant 3 : i32
      %add3A_129 = arith.addi %mul3A_115, %add3A_128 : i32
      %add3A_130 = arith.constant 0 : i32
      %add3A_131 = arith.addi %add3A_129, %add3A_130 : i32
      %mul3A_132 = arith.constant 4096 : i32
      %mul3A_133 = arith.muli %add3A_131, %mul3A_132 : i32
      %add3A_134 = arith.addi %mul3A_2, %mul3A_133 : i32
      %dma_start3A_135 = tpu.memref_slice %arg2[%add3A_134] : memref<8388608xi32, #tpu.memory_space<hbm>> -> memref<4096xi32, #tpu.memory_space<hbm>>
      %dma_start3A_136 = tpu.memref_slice %arg2[%add3A_134] : memref<8388608xi32, #tpu.memory_space<hbm>> -> memref<4096xi32, #tpu.memory_space<hbm>>
      tpu.enqueue_dma source(%dma_start3A_136 : memref<4096xi32, #tpu.memory_space<hbm>>) target(%arg8 : memref<4096xi32, #tpu.memory_space<vmem>>) target_semaphore(%arg14 : memref<!tpu.dma_semaphore, #tpu.memory_space<semaphore_mem>>)
      %dma_start3A_137 = tpu.memref_slice %arg3[%add3A_134] : memref<8388608xf32, #tpu.memory_space<hbm>> -> memref<4096xf32, #tpu.memory_space<hbm>>
      %dma_start3A_138 = tpu.memref_slice %arg3[%add3A_134] : memref<8388608xf32, #tpu.memory_space<hbm>> -> memref<4096xf32, #tpu.memory_space<hbm>>
      tpu.enqueue_dma source(%dma_start3A_138 : memref<4096xf32, #tpu.memory_space<hbm>>) target(%arg11 : memref<4096xf32, #tpu.memory_space<vmem>>) target_semaphore(%arg15 : memref<!tpu.dma_semaphore, #tpu.memory_space<semaphore_mem>>)
      %dma_wait3A_139 = arith.constant 0 : i32
      %dma_wait3A_140 = tpu.memref_slice %arg2[%dma_wait3A_139] : memref<8388608xi32, #tpu.memory_space<hbm>> -> memref<4096xi32, #tpu.memory_space<hbm>>
      %dma_wait3A_141 = arith.constant 0 : i32
      %dma_wait3A_142 = tpu.memref_slice %arg2[%dma_wait3A_141] : memref<8388608xi32, #tpu.memory_space<hbm>> -> memref<4096xi32, #tpu.memory_space<hbm>>
      tpu.wait_dma2 semaphore(%arg16 : memref<!tpu.dma_semaphore, #tpu.memory_space<semaphore_mem>>) src(%dma_wait3A_142 : memref<4096xi32, #tpu.memory_space<hbm>>) dst(%arg9 : memref<4096xi32, #tpu.memory_space<vmem>>)
      %dma_wait3A_143 = arith.constant 0 : i32
      %dma_wait3A_144 = tpu.memref_slice %arg3[%dma_wait3A_143] : memref<8388608xf32, #tpu.memory_space<hbm>> -> memref<4096xf32, #tpu.memory_space<hbm>>
      %dma_wait3A_145 = arith.constant 0 : i32
      %dma_wait3A_146 = tpu.memref_slice %arg3[%dma_wait3A_145] : memref<8388608xf32, #tpu.memory_space<hbm>> -> memref<4096xf32, #tpu.memory_space<hbm>>
      tpu.wait_dma2 semaphore(%arg17 : memref<!tpu.dma_semaphore, #tpu.memory_space<semaphore_mem>>) src(%dma_wait3A_146 : memref<4096xf32, #tpu.memory_space<hbm>>) dst(%arg12 : memref<4096xf32, #tpu.memory_space<vmem>>)
      %parallel_loop3A_147 = arith.constant 0 : i32
      %parallel_loop3A_148 = arith.constant 4096 : i32
      %parallel_loop3A_149 = arith.constant 16 : i32
      %parallel_loop3A_150:8 = scf.for %parallel_loop3A_185 = %parallel_loop3A_147 to %parallel_loop3A_148 step %parallel_loop3A_149 iter_args(%parallel_loop3A_186 = %parallel_loop3A_127#0, %parallel_loop3A_187 = %parallel_loop3A_127#1, %parallel_loop3A_188 = %parallel_loop3A_127#2, %parallel_loop3A_189 = %parallel_loop3A_127#3, %parallel_loop3A_190 = %parallel_loop3A_127#4, %parallel_loop3A_191 = %parallel_loop3A_127#5, %parallel_loop3A_192 = %parallel_loop3A_127#6, %parallel_loop3A_193 = %parallel_loop3A_127#7) -> (vector<16xf32>, vector<16xf32>, vector<16xf32>, vector<16xf32>, vector<16xf32>, vector<16xf32>, vector<16xf32>, vector<16xf32>)  : i32 {
        %parallel_loop3A_194 = arith.index_cast %parallel_loop3A_185 : i32 to index
        %parallel_loop3A_195 = tpu.vector_load %arg12[%parallel_loop3A_194] {strides = array<i32>} : memref<4096xf32, #tpu.memory_space<vmem>>, vector<16xf32>,
        %parallel_loop3A_196 = arith.index_cast %parallel_loop3A_185 : i32 to index
        %parallel_loop3A_197 = tpu.vector_load %arg9[%parallel_loop3A_196] {strides = array<i32>} : memref<4096xi32, #tpu.memory_space<vmem>>, vector<16xi32>,
        tpu.vector_store_idx %arg6[%parallel_loop3A_197], %parallel_loop3A_195 {add = true} : memref<100000xf32, #tpu.memory_space<vmem>>[vector<16xi32>], vector<16xf32>,
        %parallel_loop3A_198 = arith.addf %parallel_loop3A_186, %parallel_loop3A_195 : vector<16xf32>
        scf.yield %parallel_loop3A_187, %parallel_loop3A_188, %parallel_loop3A_189, %parallel_loop3A_190, %parallel_loop3A_191, %parallel_loop3A_192, %parallel_loop3A_193, %parallel_loop3A_198 : vector<16xf32>, vector<16xf32>, vector<16xf32>, vector<16xf32>, vector<16xf32>, vector<16xf32>, vector<16xf32>, vector<16xf32>
      } {sc.loop_unroll_factor = 8 : i64, sc.parallel_access}
      %add3A_151 = arith.constant 3 : i32
      %add3A_152 = arith.addi %mul3A_115, %add3A_151 : i32
      %add3A_153 = arith.constant 1 : i32
      %add3A_154 = arith.addi %add3A_152, %add3A_153 : i32
      %mul3A_155 = arith.constant 4096 : i32
      %mul3A_156 = arith.muli %add3A_154, %mul3A_155 : i32
      %add3A_157 = arith.addi %mul3A_2, %mul3A_156 : i32
      %dma_start3A_158 = tpu.memref_slice %arg2[%add3A_157] : memref<8388608xi32, #tpu.memory_space<hbm>> -> memref<4096xi32, #tpu.memory_space<hbm>>
      %dma_start3A_159 = tpu.memref_slice %arg2[%add3A_157] : memref<8388608xi32, #tpu.memory_space<hbm>> -> memref<4096xi32, #tpu.memory_space<hbm>>
      tpu.enqueue_dma source(%dma_start3A_159 : memref<4096xi32, #tpu.memory_space<hbm>>) target(%arg9 : memref<4096xi32, #tpu.memory_space<vmem>>) target_semaphore(%arg16 : memref<!tpu.dma_semaphore, #tpu.memory_space<semaphore_mem>>)
      %dma_start3A_160 = tpu.memref_slice %arg3[%add3A_157] : memref<8388608xf32, #tpu.memory_space<hbm>> -> memref<4096xf32, #tpu.memory_space<hbm>>
      %dma_start3A_161 = tpu.memref_slice %arg3[%add3A_157] : memref<8388608xf32, #tpu.memory_space<hbm>> -> memref<4096xf32, #tpu.memory_space<hbm>>
      tpu.enqueue_dma source(%dma_start3A_161 : memref<4096xf32, #tpu.memory_space<hbm>>) target(%arg12 : memref<4096xf32, #tpu.memory_space<vmem>>) target_semaphore(%arg17 : memref<!tpu.dma_semaphore, #tpu.memory_space<semaphore_mem>>)
      %dma_wait3A_162 = arith.constant 0 : i32
      %dma_wait3A_163 = tpu.memref_slice %arg2[%dma_wait3A_162] : memref<8388608xi32, #tpu.memory_space<hbm>> -> memref<4096xi32, #tpu.memory_space<hbm>>
      %dma_wait3A_164 = arith.constant 0 : i32
      %dma_wait3A_165 = tpu.memref_slice %arg2[%dma_wait3A_164] : memref<8388608xi32, #tpu.memory_space<hbm>> -> memref<4096xi32, #tpu.memory_space<hbm>>
      tpu.wait_dma2 semaphore(%arg18 : memref<!tpu.dma_semaphore, #tpu.memory_space<semaphore_mem>>) src(%dma_wait3A_165 : memref<4096xi32, #tpu.memory_space<hbm>>) dst(%arg10 : memref<4096xi32, #tpu.memory_space<vmem>>)
      %dma_wait3A_166 = arith.constant 0 : i32
      %dma_wait3A_167 = tpu.memref_slice %arg3[%dma_wait3A_166] : memref<8388608xf32, #tpu.memory_space<hbm>> -> memref<4096xf32, #tpu.memory_space<hbm>>
      %dma_wait3A_168 = arith.constant 0 : i32
      %dma_wait3A_169 = tpu.memref_slice %arg3[%dma_wait3A_168] : memref<8388608xf32, #tpu.memory_space<hbm>> -> memref<4096xf32, #tpu.memory_space<hbm>>
      tpu.wait_dma2 semaphore(%arg19 : memref<!tpu.dma_semaphore, #tpu.memory_space<semaphore_mem>>) src(%dma_wait3A_169 : memref<4096xf32, #tpu.memory_space<hbm>>) dst(%arg13 : memref<4096xf32, #tpu.memory_space<vmem>>)
      %parallel_loop3A_170 = arith.constant 0 : i32
      %parallel_loop3A_171 = arith.constant 4096 : i32
      %parallel_loop3A_172 = arith.constant 16 : i32
      %parallel_loop3A_173:8 = scf.for %parallel_loop3A_185 = %parallel_loop3A_170 to %parallel_loop3A_171 step %parallel_loop3A_172 iter_args(%parallel_loop3A_186 = %parallel_loop3A_150#0, %parallel_loop3A_187 = %parallel_loop3A_150#1, %parallel_loop3A_188 = %parallel_loop3A_150#2, %parallel_loop3A_189 = %parallel_loop3A_150#3, %parallel_loop3A_190 = %parallel_loop3A_150#4, %parallel_loop3A_191 = %parallel_loop3A_150#5, %parallel_loop3A_192 = %parallel_loop3A_150#6, %parallel_loop3A_193 = %parallel_loop3A_150#7) -> (vector<16xf32>, vector<16xf32>, vector<16xf32>, vector<16xf32>, vector<16xf32>, vector<16xf32>, vector<16xf32>, vector<16xf32>)  : i32 {
        %parallel_loop3A_194 = arith.index_cast %parallel_loop3A_185 : i32 to index
        %parallel_loop3A_195 = tpu.vector_load %arg13[%parallel_loop3A_194] {strides = array<i32>} : memref<4096xf32, #tpu.memory_space<vmem>>, vector<16xf32>,
        %parallel_loop3A_196 = arith.index_cast %parallel_loop3A_185 : i32 to index
        %parallel_loop3A_197 = tpu.vector_load %arg10[%parallel_loop3A_196] {strides = array<i32>} : memref<4096xi32, #tpu.memory_space<vmem>>, vector<16xi32>,
        tpu.vector_store_idx %arg6[%parallel_loop3A_197], %parallel_loop3A_195 {add = true} : memref<100000xf32, #tpu.memory_space<vmem>>[vector<16xi32>], vector<16xf32>,
        %parallel_loop3A_198 = arith.addf %parallel_loop3A_186, %parallel_loop3A_195 : vector<16xf32>
        scf.yield %parallel_loop3A_187, %parallel_loop3A_188, %parallel_loop3A_189, %parallel_loop3A_190, %parallel_loop3A_191, %parallel_loop3A_192, %parallel_loop3A_193, %parallel_loop3A_198 : vector<16xf32>, vector<16xf32>, vector<16xf32>, vector<16xf32>, vector<16xf32>, vector<16xf32>, vector<16xf32>, vector<16xf32>
      } {sc.loop_unroll_factor = 8 : i64, sc.parallel_access}
      %add3A_174 = arith.constant 3 : i32
      %add3A_175 = arith.addi %mul3A_115, %add3A_174 : i32
      %add3A_176 = arith.constant 2 : i32
      %add3A_177 = arith.addi %add3A_175, %add3A_176 : i32
      %mul3A_178 = arith.constant 4096 : i32
      %mul3A_179 = arith.muli %add3A_177, %mul3A_178 : i32
      %add3A_180 = arith.addi %mul3A_2, %mul3A_179 : i32
      %dma_start3A_181 = tpu.memref_slice %arg2[%add3A_180] : memref<8388608xi32, #tpu.memory_space<hbm>> -> memref<4096xi32, #tpu.memory_space<hbm>>
      %dma_start3A_182 = tpu.memref_slice %arg2[%add3A_180] : memref<8388608xi32, #tpu.memory_space<hbm>> -> memref<4096xi32, #tpu.memory_space<hbm>>
      tpu.enqueue_dma source(%dma_start3A_182 : memref<4096xi32, #tpu.memory_space<hbm>>) target(%arg10 : memref<4096xi32, #tpu.memory_space<vmem>>) target_semaphore(%arg18 : memref<!tpu.dma_semaphore, #tpu.memory_space<semaphore_mem>>)
      %dma_start3A_183 = tpu.memref_slice %arg3[%add3A_180] : memref<8388608xf32, #tpu.memory_space<hbm>> -> memref<4096xf32, #tpu.memory_space<hbm>>
      %dma_start3A_184 = tpu.memref_slice %arg3[%add3A_180] : memref<8388608xf32, #tpu.memory_space<hbm>> -> memref<4096xf32, #tpu.memory_space<hbm>>
      tpu.enqueue_dma source(%dma_start3A_184 : memref<4096xf32, #tpu.memory_space<hbm>>) target(%arg13 : memref<4096xf32, #tpu.memory_space<vmem>>) target_semaphore(%arg19 : memref<!tpu.dma_semaphore, #tpu.memory_space<semaphore_mem>>)
      scf.yield %parallel_loop3A_173#0, %parallel_loop3A_173#1, %parallel_loop3A_173#2, %parallel_loop3A_173#3, %parallel_loop3A_173#4, %parallel_loop3A_173#5, %parallel_loop3A_173#6, %parallel_loop3A_173#7 : vector<16xf32>, vector<16xf32>, vector<16xf32>, vector<16xf32>, vector<16xf32>, vector<16xf32>, vector<16xf32>, vector<16xf32>
    }
    %scan3A_43 = arith.constant 20 : i32
    %dma_wait3A = arith.constant 0 : i32
    %dma_wait3A_44 = tpu.memref_slice %arg2[%dma_wait3A] : memref<8388608xi32, #tpu.memory_space<hbm>> -> memref<4096xi32, #tpu.memory_space<hbm>>
    %dma_wait3A_45 = arith.constant 0 : i32
    %dma_wait3A_46 = tpu.memref_slice %arg2[%dma_wait3A_45] : memref<8388608xi32, #tpu.memory_space<hbm>> -> memref<4096xi32, #tpu.memory_space<hbm>>
    tpu.wait_dma2 semaphore(%arg14 : memref<!tpu.dma_semaphore, #tpu.memory_space<semaphore_mem>>) src(%dma_wait3A_46 : memref<4096xi32, #tpu.memory_space<hbm>>) dst(%arg8 : memref<4096xi32, #tpu.memory_space<vmem>>)
    %dma_wait3A_47 = arith.constant 0 : i32
    %dma_wait3A_48 = tpu.memref_slice %arg3[%dma_wait3A_47] : memref<8388608xf32, #tpu.memory_space<hbm>> -> memref<4096xf32, #tpu.memory_space<hbm>>
    %dma_wait3A_49 = arith.constant 0 : i32
    %dma_wait3A_50 = tpu.memref_slice %arg3[%dma_wait3A_49] : memref<8388608xf32, #tpu.memory_space<hbm>> -> memref<4096xf32, #tpu.memory_space<hbm>>
    tpu.wait_dma2 semaphore(%arg15 : memref<!tpu.dma_semaphore, #tpu.memory_space<semaphore_mem>>) src(%dma_wait3A_50 : memref<4096xf32, #tpu.memory_space<hbm>>) dst(%arg11 : memref<4096xf32, #tpu.memory_space<vmem>>)
    %parallel_loop3A_51 = arith.constant 0 : i32
    %parallel_loop3A_52 = arith.constant 4096 : i32
    %parallel_loop3A_53 = arith.constant 16 : i32
    %parallel_loop3A_54:8 = scf.for %parallel_loop3A_105 = %parallel_loop3A_51 to %parallel_loop3A_52 step %parallel_loop3A_53 iter_args(%parallel_loop3A_106 = %scan3A_42#0, %parallel_loop3A_107 = %scan3A_42#1, %parallel_loop3A_108 = %scan3A_42#2, %parallel_loop3A_109 = %scan3A_42#3, %parallel_loop3A_110 = %scan3A_42#4, %parallel_loop3A_111 = %scan3A_42#5, %parallel_loop3A_112 = %scan3A_42#6, %parallel_loop3A_113 = %scan3A_42#7) -> (vector<16xf32>, vector<16xf32>, vector<16xf32>, vector<16xf32>, vector<16xf32>, vector<16xf32>, vector<16xf32>, vector<16xf32>)  : i32 {
      %parallel_loop3A_114 = arith.index_cast %parallel_loop3A_105 : i32 to index
      %parallel_loop3A_115 = tpu.vector_load %arg11[%parallel_loop3A_114] {strides = array<i32>} : memref<4096xf32, #tpu.memory_space<vmem>>, vector<16xf32>,
      %parallel_loop3A_116 = arith.index_cast %parallel_loop3A_105 : i32 to index
      %parallel_loop3A_117 = tpu.vector_load %arg8[%parallel_loop3A_116] {strides = array<i32>} : memref<4096xi32, #tpu.memory_space<vmem>>, vector<16xi32>,
      tpu.vector_store_idx %arg6[%parallel_loop3A_117], %parallel_loop3A_115 {add = true} : memref<100000xf32, #tpu.memory_space<vmem>>[vector<16xi32>], vector<16xf32>,
      %parallel_loop3A_118 = arith.addf %parallel_loop3A_106, %parallel_loop3A_115 : vector<16xf32>
      scf.yield %parallel_loop3A_107, %parallel_loop3A_108, %parallel_loop3A_109, %parallel_loop3A_110, %parallel_loop3A_111, %parallel_loop3A_112, %parallel_loop3A_113, %parallel_loop3A_118 : vector<16xf32>, vector<16xf32>, vector<16xf32>, vector<16xf32>, vector<16xf32>, vector<16xf32>, vector<16xf32>, vector<16xf32>
    } {sc.loop_unroll_factor = 8 : i64, sc.parallel_access}
    %add3A_55 = arith.constant 258048 : i32
    %add3A_56 = arith.addi %mul3A_2, %add3A_55 : i32
    %dma_start3A_57 = tpu.memref_slice %arg2[%add3A_56] : memref<8388608xi32, #tpu.memory_space<hbm>> -> memref<4096xi32, #tpu.memory_space<hbm>>
    %dma_start3A_58 = tpu.memref_slice %arg2[%add3A_56] : memref<8388608xi32, #tpu.memory_space<hbm>> -> memref<4096xi32, #tpu.memory_space<hbm>>
    tpu.enqueue_dma source(%dma_start3A_58 : memref<4096xi32, #tpu.memory_space<hbm>>) target(%arg8 : memref<4096xi32, #tpu.memory_space<vmem>>) target_semaphore(%arg14 : memref<!tpu.dma_semaphore, #tpu.memory_space<semaphore_mem>>)
    %dma_start3A_59 = tpu.memref_slice %arg3[%add3A_56] : memref<8388608xf32, #tpu.memory_space<hbm>> -> memref<4096xf32, #tpu.memory_space<hbm>>
    %dma_start3A_60 = tpu.memref_slice %arg3[%add3A_56] : memref<8388608xf32, #tpu.memory_space<hbm>> -> memref<4096xf32, #tpu.memory_space<hbm>>
    tpu.enqueue_dma source(%dma_start3A_60 : memref<4096xf32, #tpu.memory_space<hbm>>) target(%arg11 : memref<4096xf32, #tpu.memory_space<vmem>>) target_semaphore(%arg15 : memref<!tpu.dma_semaphore, #tpu.memory_space<semaphore_mem>>)
    %dma_wait3A_61 = arith.constant 0 : i32
    %dma_wait3A_62 = tpu.memref_slice %arg2[%dma_wait3A_61] : memref<8388608xi32, #tpu.memory_space<hbm>> -> memref<4096xi32, #tpu.memory_space<hbm>>
    %dma_wait3A_63 = arith.constant 0 : i32
    %dma_wait3A_64 = tpu.memref_slice %arg2[%dma_wait3A_63] : memref<8388608xi32, #tpu.memory_space<hbm>> -> memref<4096xi32, #tpu.memory_space<hbm>>
    tpu.wait_dma2 semaphore(%arg16 : memref<!tpu.dma_semaphore, #tpu.memory_space<semaphore_mem>>) src(%dma_wait3A_64 : memref<4096xi32, #tpu.memory_space<hbm>>) dst(%arg9 : memref<4096xi32, #tpu.memory_space<vmem>>)
    %dma_wait3A_65 = arith.constant 0 : i32
    %dma_wait3A_66 = tpu.memref_slice %arg3[%dma_wait3A_65] : memref<8388608xf32, #tpu.memory_space<hbm>> -> memref<4096xf32, #tpu.memory_space<hbm>>
    %dma_wait3A_67 = arith.constant 0 : i32
    %dma_wait3A_68 = tpu.memref_slice %arg3[%dma_wait3A_67] : memref<8388608xf32, #tpu.memory_space<hbm>> -> memref<4096xf32, #tpu.memory_space<hbm>>
    tpu.wait_dma2 semaphore(%arg17 : memref<!tpu.dma_semaphore, #tpu.memory_space<semaphore_mem>>) src(%dma_wait3A_68 : memref<4096xf32, #tpu.memory_space<hbm>>) dst(%arg12 : memref<4096xf32, #tpu.memory_space<vmem>>)
    %parallel_loop3A_69 = arith.constant 0 : i32
    %parallel_loop3A_70 = arith.constant 4096 : i32
    %parallel_loop3A_71 = arith.constant 16 : i32
    %parallel_loop3A_72:8 = scf.for %parallel_loop3A_105 = %parallel_loop3A_69 to %parallel_loop3A_70 step %parallel_loop3A_71 iter_args(%parallel_loop3A_106 = %parallel_loop3A_54#0, %parallel_loop3A_107 = %parallel_loop3A_54#1, %parallel_loop3A_108 = %parallel_loop3A_54#2, %parallel_loop3A_109 = %parallel_loop3A_54#3, %parallel_loop3A_110 = %parallel_loop3A_54#4, %parallel_loop3A_111 = %parallel_loop3A_54#5, %parallel_loop3A_112 = %parallel_loop3A_54#6, %parallel_loop3A_113 = %parallel_loop3A_54#7) -> (vector<16xf32>, vector<16xf32>, vector<16xf32>, vector<16xf32>, vector<16xf32>, vector<16xf32>, vector<16xf32>, vector<16xf32>)  : i32 {
      %parallel_loop3A_114 = arith.index_cast %parallel_loop3A_105 : i32 to index
      %parallel_loop3A_115 = tpu.vector_load %arg12[%parallel_loop3A_114] {strides = array<i32>} : memref<4096xf32, #tpu.memory_space<vmem>>, vector<16xf32>,
      %parallel_loop3A_116 = arith.index_cast %parallel_loop3A_105 : i32 to index
      %parallel_loop3A_117 = tpu.vector_load %arg9[%parallel_loop3A_116] {strides = array<i32>} : memref<4096xi32, #tpu.memory_space<vmem>>, vector<16xi32>,
      tpu.vector_store_idx %arg6[%parallel_loop3A_117], %parallel_loop3A_115 {add = true} : memref<100000xf32, #tpu.memory_space<vmem>>[vector<16xi32>], vector<16xf32>,
      %parallel_loop3A_118 = arith.addf %parallel_loop3A_106, %parallel_loop3A_115 : vector<16xf32>
      scf.yield %parallel_loop3A_107, %parallel_loop3A_108, %parallel_loop3A_109, %parallel_loop3A_110, %parallel_loop3A_111, %parallel_loop3A_112, %parallel_loop3A_113, %parallel_loop3A_118 : vector<16xf32>, vector<16xf32>, vector<16xf32>, vector<16xf32>, vector<16xf32>, vector<16xf32>, vector<16xf32>, vector<16xf32>
    } {sc.loop_unroll_factor = 8 : i64, sc.parallel_access}
    %dma_wait3A_73 = arith.constant 0 : i32
    %dma_wait3A_74 = tpu.memref_slice %arg2[%dma_wait3A_73] : memref<8388608xi32, #tpu.memory_space<hbm>> -> memref<4096xi32, #tpu.memory_space<hbm>>
    %dma_wait3A_75 = arith.constant 0 : i32
    %dma_wait3A_76 = tpu.memref_slice %arg2[%dma_wait3A_75] : memref<8388608xi32, #tpu.memory_space<hbm>> -> memref<4096xi32, #tpu.memory_space<hbm>>
    tpu.wait_dma2 semaphore(%arg18 : memref<!tpu.dma_semaphore, #tpu.memory_space<semaphore_mem>>) src(%dma_wait3A_76 : memref<4096xi32, #tpu.memory_space<hbm>>) dst(%arg10 : memref<4096xi32, #tpu.memory_space<vmem>>)
    %dma_wait3A_77 = arith.constant 0 : i32
    %dma_wait3A_78 = tpu.memref_slice %arg3[%dma_wait3A_77] : memref<8388608xf32, #tpu.memory_space<hbm>> -> memref<4096xf32, #tpu.memory_space<hbm>>
    %dma_wait3A_79 = arith.constant 0 : i32
    %dma_wait3A_80 = tpu.memref_slice %arg3[%dma_wait3A_79] : memref<8388608xf32, #tpu.memory_space<hbm>> -> memref<4096xf32, #tpu.memory_space<hbm>>
    tpu.wait_dma2 semaphore(%arg19 : memref<!tpu.dma_semaphore, #tpu.memory_space<semaphore_mem>>) src(%dma_wait3A_80 : memref<4096xf32, #tpu.memory_space<hbm>>) dst(%arg13 : memref<4096xf32, #tpu.memory_space<vmem>>)
    %parallel_loop3A_81 = arith.constant 0 : i32
    %parallel_loop3A_82 = arith.constant 4096 : i32
    %parallel_loop3A_83 = arith.constant 16 : i32
    %parallel_loop3A_84:8 = scf.for %parallel_loop3A_105 = %parallel_loop3A_81 to %parallel_loop3A_82 step %parallel_loop3A_83 iter_args(%parallel_loop3A_106 = %parallel_loop3A_72#0, %parallel_loop3A_107 = %parallel_loop3A_72#1, %parallel_loop3A_108 = %parallel_loop3A_72#2, %parallel_loop3A_109 = %parallel_loop3A_72#3, %parallel_loop3A_110 = %parallel_loop3A_72#4, %parallel_loop3A_111 = %parallel_loop3A_72#5, %parallel_loop3A_112 = %parallel_loop3A_72#6, %parallel_loop3A_113 = %parallel_loop3A_72#7) -> (vector<16xf32>, vector<16xf32>, vector<16xf32>, vector<16xf32>, vector<16xf32>, vector<16xf32>, vector<16xf32>, vector<16xf32>)  : i32 {
      %parallel_loop3A_114 = arith.index_cast %parallel_loop3A_105 : i32 to index
      %parallel_loop3A_115 = tpu.vector_load %arg13[%parallel_loop3A_114] {strides = array<i32>} : memref<4096xf32, #tpu.memory_space<vmem>>, vector<16xf32>,
      %parallel_loop3A_116 = arith.index_cast %parallel_loop3A_105 : i32 to index
      %parallel_loop3A_117 = tpu.vector_load %arg10[%parallel_loop3A_116] {strides = array<i32>} : memref<4096xi32, #tpu.memory_space<vmem>>, vector<16xi32>,
      tpu.vector_store_idx %arg6[%parallel_loop3A_117], %parallel_loop3A_115 {add = true} : memref<100000xf32, #tpu.memory_space<vmem>>[vector<16xi32>], vector<16xf32>,
      %parallel_loop3A_118 = arith.addf %parallel_loop3A_106, %parallel_loop3A_115 : vector<16xf32>
      scf.yield %parallel_loop3A_107, %parallel_loop3A_108, %parallel_loop3A_109, %parallel_loop3A_110, %parallel_loop3A_111, %parallel_loop3A_112, %parallel_loop3A_113, %parallel_loop3A_118 : vector<16xf32>, vector<16xf32>, vector<16xf32>, vector<16xf32>, vector<16xf32>, vector<16xf32>, vector<16xf32>, vector<16xf32>
    } {sc.loop_unroll_factor = 8 : i64, sc.parallel_access}
    %dma_wait3A_85 = arith.constant 0 : i32
    %dma_wait3A_86 = tpu.memref_slice %arg2[%dma_wait3A_85] : memref<8388608xi32, #tpu.memory_space<hbm>> -> memref<4096xi32, #tpu.memory_space<hbm>>
    %dma_wait3A_87 = arith.constant 0 : i32
    %dma_wait3A_88 = tpu.memref_slice %arg2[%dma_wait3A_87] : memref<8388608xi32, #tpu.memory_space<hbm>> -> memref<4096xi32, #tpu.memory_space<hbm>>
    tpu.wait_dma2 semaphore(%arg14 : memref<!tpu.dma_semaphore, #tpu.memory_space<semaphore_mem>>) src(%dma_wait3A_88 : memref<4096xi32, #tpu.memory_space<hbm>>) dst(%arg8 : memref<4096xi32, #tpu.memory_space<vmem>>)
    %dma_wait3A_89 = arith.constant 0 : i32
    %dma_wait3A_90 = tpu.memref_slice %arg3[%dma_wait3A_89] : memref<8388608xf32, #tpu.memory_space<hbm>> -> memref<4096xf32, #tpu.memory_space<hbm>>
    %dma_wait3A_91 = arith.constant 0 : i32
    %dma_wait3A_92 = tpu.memref_slice %arg3[%dma_wait3A_91] : memref<8388608xf32, #tpu.memory_space<hbm>> -> memref<4096xf32, #tpu.memory_space<hbm>>
    tpu.wait_dma2 semaphore(%arg15 : memref<!tpu.dma_semaphore, #tpu.memory_space<semaphore_mem>>) src(%dma_wait3A_92 : memref<4096xf32, #tpu.memory_space<hbm>>) dst(%arg11 : memref<4096xf32, #tpu.memory_space<vmem>>)
    %parallel_loop3A_93 = arith.constant 0 : i32
    %parallel_loop3A_94 = arith.constant 4096 : i32
    %parallel_loop3A_95 = arith.constant 16 : i32
    %parallel_loop3A_96:8 = scf.for %parallel_loop3A_105 = %parallel_loop3A_93 to %parallel_loop3A_94 step %parallel_loop3A_95 iter_args(%parallel_loop3A_106 = %parallel_loop3A_84#0, %parallel_loop3A_107 = %parallel_loop3A_84#1, %parallel_loop3A_108 = %parallel_loop3A_84#2, %parallel_loop3A_109 = %parallel_loop3A_84#3, %parallel_loop3A_110 = %parallel_loop3A_84#4, %parallel_loop3A_111 = %parallel_loop3A_84#5, %parallel_loop3A_112 = %parallel_loop3A_84#6, %parallel_loop3A_113 = %parallel_loop3A_84#7) -> (vector<16xf32>, vector<16xf32>, vector<16xf32>, vector<16xf32>, vector<16xf32>, vector<16xf32>, vector<16xf32>, vector<16xf32>)  : i32 {
      %parallel_loop3A_114 = arith.index_cast %parallel_loop3A_105 : i32 to index
      %parallel_loop3A_115 = tpu.vector_load %arg11[%parallel_loop3A_114] {strides = array<i32>} : memref<4096xf32, #tpu.memory_space<vmem>>, vector<16xf32>,
      %parallel_loop3A_116 = arith.index_cast %parallel_loop3A_105 : i32 to index
      %parallel_loop3A_117 = tpu.vector_load %arg8[%parallel_loop3A_116] {strides = array<i32>} : memref<4096xi32, #tpu.memory_space<vmem>>, vector<16xi32>,
      tpu.vector_store_idx %arg6[%parallel_loop3A_117], %parallel_loop3A_115 {add = true} : memref<100000xf32, #tpu.memory_space<vmem>>[vector<16xi32>], vector<16xf32>,
      %parallel_loop3A_118 = arith.addf %parallel_loop3A_106, %parallel_loop3A_115 : vector<16xf32>
      scf.yield %parallel_loop3A_107, %parallel_loop3A_108, %parallel_loop3A_109, %parallel_loop3A_110, %parallel_loop3A_111, %parallel_loop3A_112, %parallel_loop3A_113, %parallel_loop3A_118 : vector<16xf32>, vector<16xf32>, vector<16xf32>, vector<16xf32>, vector<16xf32>, vector<16xf32>, vector<16xf32>, vector<16xf32>
    } {sc.loop_unroll_factor = 8 : i64, sc.parallel_access}
    %add3A_97 = arith.addf %parallel_loop3A_96#0, %parallel_loop3A_96#1 : vector<16xf32>
    %add3A_98 = arith.addf %parallel_loop3A_96#2, %parallel_loop3A_96#3 : vector<16xf32>
    %add3A_99 = arith.addf %add3A_97, %add3A_98 : vector<16xf32>
    %add3A_100 = arith.addf %parallel_loop3A_96#4, %parallel_loop3A_96#5 : vector<16xf32>
    %add3A_101 = arith.addf %parallel_loop3A_96#6, %parallel_loop3A_96#7 : vector<16xf32>
    %add3A_102 = arith.addf %add3A_100, %add3A_101 : vector<16xf32>
    %add3A_103 = arith.addf %add3A_99, %add3A_102 : vector<16xf32>
    %swap3A = arith.constant 0 : index
    %swap3A_104 = tpu.vector_load %arg7[%swap3A] {strides = array<i32>} : memref<16xf32, #tpu.memory_space<vmem>>, vector<16xf32>,
    tpu.vector_store %arg7[%swap3A], %add3A_103 {strides = array<i32>} : memref<16xf32, #tpu.memory_space<vmem>>, vector<16xf32>,
    "tpu.region"() ({
      %run_scoped3A = tpu.sem_alloc : memref<!tpu.dma_semaphore, #tpu.memory_space<semaphore_mem>>
      %dma_start3A_105 = arith.constant 0 : i32
      %dma_start3A_106 = tpu.memref_slice %arg4[%add3A, %dma_start3A_105] : memref<32x100000xf32, #tpu.memory_space<hbm>> -> memref<1x100000xf32, #tpu.memory_space<hbm>>
      %dma_start3A_107 = tpu.memref_squeeze %dma_start3A_106 : memref<1x100000xf32, #tpu.memory_space<hbm>> -> memref<100000xf32, #tpu.memory_space<hbm>>
      %dma_start3A_108 = arith.constant 0 : i32
      %dma_start3A_109 = tpu.memref_slice %arg4[%add3A, %dma_start3A_108] : memref<32x100000xf32, #tpu.memory_space<hbm>> -> memref<1x100000xf32, #tpu.memory_space<hbm>>
      %dma_start3A_110 = tpu.memref_squeeze %dma_start3A_109 : memref<1x100000xf32, #tpu.memory_space<hbm>> -> memref<100000xf32, #tpu.memory_space<hbm>>
      tpu.enqueue_dma source(%arg6 : memref<100000xf32, #tpu.memory_space<vmem>>) target(%dma_start3A_110 : memref<100000xf32, #tpu.memory_space<hbm>>) target_semaphore(%run_scoped3A : memref<!tpu.dma_semaphore, #tpu.memory_space<semaphore_mem>>)
      %dma_wait3A_111 = arith.constant 0 : i32
      %dma_wait3A_112 = tpu.memref_slice %arg4[%add3A, %dma_wait3A_111] : memref<32x100000xf32, #tpu.memory_space<hbm>> -> memref<1x100000xf32, #tpu.memory_space<hbm>>
      %dma_wait3A_113 = tpu.memref_squeeze %dma_wait3A_112 : memref<1x100000xf32, #tpu.memory_space<hbm>> -> memref<100000xf32, #tpu.memory_space<hbm>>
      %dma_wait3A_114 = arith.constant 0 : i32
      %dma_wait3A_115 = tpu.memref_slice %arg4[%add3A, %dma_wait3A_114] : memref<32x100000xf32, #tpu.memory_space<hbm>> -> memref<1x100000xf32, #tpu.memory_space<hbm>>
      %dma_wait3A_116 = tpu.memref_squeeze %dma_wait3A_115 : memref<1x100000xf32, #tpu.memory_space<hbm>> -> memref<100000xf32, #tpu.memory_space<hbm>>
      tpu.wait_dma2 semaphore(%run_scoped3A : memref<!tpu.dma_semaphore, #tpu.memory_space<semaphore_mem>>) src(%arg6 : memref<100000xf32, #tpu.memory_space<vmem>>) dst(%dma_wait3A_116 : memref<100000xf32, #tpu.memory_space<hbm>>)
      tpu.yield
    }) : () -> ()
    "tpu.region"() ({
      %run_scoped3A = tpu.sem_alloc : memref<!tpu.dma_semaphore, #tpu.memory_space<semaphore_mem>>
      %dma_start3A_105 = arith.constant 0 : i32
      %dma_start3A_106 = tpu.memref_slice %arg5[%add3A, %dma_start3A_105] : memref<32x16xf32, #tpu.memory_space<hbm>> -> memref<1x16xf32, #tpu.memory_space<hbm>>
      %dma_start3A_107 = tpu.memref_squeeze %dma_start3A_106 : memref<1x16xf32, #tpu.memory_space<hbm>> -> memref<16xf32, #tpu.memory_space<hbm>>
      %dma_start3A_108 = arith.constant 0 : i32
      %dma_start3A_109 = tpu.memref_slice %arg5[%add3A, %dma_start3A_108] : memref<32x16xf32, #tpu.memory_space<hbm>> -> memref<1x16xf32, #tpu.memory_space<hbm>>
      %dma_start3A_110 = tpu.memref_squeeze %dma_start3A_109 : memref<1x16xf32, #tpu.memory_space<hbm>> -> memref<16xf32, #tpu.memory_space<hbm>>
      tpu.enqueue_dma source(%arg7 : memref<16xf32, #tpu.memory_space<vmem>>) target(%dma_start3A_110 : memref<16xf32, #tpu.memory_space<hbm>>) target_semaphore(%run_scoped3A : memref<!tpu.dma_semaphore, #tpu.memory_space<semaphore_mem>>)
      %dma_wait3A_111 = arith.constant 0 : i32
      %dma_wait3A_112 = tpu.memref_slice %arg5[%add3A, %dma_wait3A_111] : memref<32x16xf32, #tpu.memory_space<hbm>> -> memref<1x16xf32, #tpu.memory_space<hbm>>
      %dma_wait3A_113 = tpu.memref_squeeze %dma_wait3A_112 : memref<1x16xf32, #tpu.memory_space<hbm>> -> memref<16xf32, #tpu.memory_space<hbm>>
      %dma_wait3A_114 = arith.constant 0 : i32
      %dma_wait3A_115 = tpu.memref_slice %arg5[%add3A, %dma_wait3A_114] : memref<32x16xf32, #tpu.memory_space<hbm>> -> memref<1x16xf32, #tpu.memory_space<hbm>>
      %dma_wait3A_116 = tpu.memref_squeeze %dma_wait3A_115 : memref<1x16xf32, #tpu.memory_space<hbm>> -> memref<16xf32, #tpu.memory_space<hbm>>
      tpu.wait_dma2 semaphore(%run_scoped3A : memref<!tpu.dma_semaphore, #tpu.memory_space<semaphore_mem>>) src(%arg7 : memref<16xf32, #tpu.memory_space<vmem>>) dst(%dma_wait3A_116 : memref<16xf32, #tpu.memory_space<hbm>>)
      tpu.yield
    }) : () -> ()
    return
  }
}

module attributes {stable_mosaic.version = 14 : i64} {
  func.func @_tc_reduce_body(%arg0: i32, %arg1: memref<32x49152xf32, #tpu.memory_space<vmem>>, %arg2: memref<32x16xf32, #tpu.memory_space<vmem>>, %arg3: memref<49152xf32, #tpu.memory_space<vmem>>, %arg4: memref<1xf32, #tpu.memory_space<smem>>) attributes {dimension_semantics = [#tpu.dimension_semantics<arbitrary>], iteration_bounds = array<i64: 3>, scalar_prefetch = 0 : i64, scratch_operands = 1 : i64, tpu.core_type = #tpu.core_type<tc>, window_params = [{transform_indices = @transform_0, window_bounds = array<i64: 32, 49152>}, {pipeline_mode = #tpu.pipeline_mode<synchronous>, transform_indices = @transform_1, window_bounds = array<i64: 32, 16>}, {transform_indices = @transform_2, window_bounds = array<i64: 49152>}]} {
    %eq3A = arith.constant 0 : i32
    %eq3A_0 = arith.cmpi eq, %arg0, %eq3A : i32
    %convert_element_type3A = arith.extui %eq3A_0 : i1 to i32
    %cond3A = arith.constant 0 : i32
    %cond3A_1 = arith.cmpi ne, %convert_element_type3A, %cond3A : i32
    scf.if %cond3A_1 {
      %get3A_9 = arith.constant 0 : index
      %get3A_10 = arith.constant 0 : index
      %get3A_11 = vector.load %arg2[%get3A_9, %get3A_10] : memref<32x16xf32, #tpu.memory_space<vmem>>, vector<32x16xf32>
      %reduce_sum3A_12 = vector.shape_cast %get3A_11 : vector<32x16xf32> to vector<1x32x16xf32>
      %reduce_sum3A_13 = arith.constant dense<0.000000e+00> : vector<1xf32>
      %reduce_sum3A_14 = vector.multi_reduction <add>, %reduce_sum3A_12, %reduce_sum3A_13 [1, 2] : vector<1x32x16xf32> to vector<1xf32>
      %reduce_sum3A_15 = vector.shape_cast %reduce_sum3A_14 : vector<1xf32> to vector<1x1x1xf32>
      %reduce_sum3A_16 = vector.extract %reduce_sum3A_15[0, 0, 0] : f32 from vector<1x1x1xf32>
      %swap3A_17 = arith.constant 0 : index
      %swap3A_18 = memref.load %arg4[%swap3A_17] : memref<1xf32, #tpu.memory_space<smem>>
      memref.store %reduce_sum3A_16, %arg4[%swap3A_17] : memref<1xf32, #tpu.memory_space<smem>>
    } else {
    }
    %get3A = arith.constant 0 : index
    %get3A_2 = arith.constant 0 : index
    %get3A_3 = vector.load %arg1[%get3A, %get3A_2] : memref<32x49152xf32, #tpu.memory_space<vmem>>, vector<32x49152xf32>
    %reduce_sum3A = arith.constant dense<0.000000e+00> : vector<49152xf32>
    %reduce_sum3A_4 = vector.multi_reduction <add>, %get3A_3, %reduce_sum3A [0] : vector<32x49152xf32> to vector<49152xf32>
    %get3A_5 = arith.constant 0 : index
    %get3A_6 = memref.load %arg4[%get3A_5] : memref<1xf32, #tpu.memory_space<smem>>
    %div3A = vector.broadcast %get3A_6 : f32 to vector<49152xf32>
    %div3A_7 = arith.divf %reduce_sum3A_4, %div3A : vector<49152xf32>
    %log3A = math.log %div3A_7 : vector<49152xf32>
    %swap3A = arith.constant 0 : index
    %swap3A_8 = vector.load %arg3[%swap3A] : memref<49152xf32, #tpu.memory_space<vmem>>, vector<49152xf32>
    tpu.vector_store %arg3[%swap3A], %log3A {strides = array<i32>} : memref<49152xf32, #tpu.memory_space<vmem>>, vector<49152xf32>,
    return
  }
  func.func @transform_0(%arg0: i32) -> (i32, i32) {
    %c0_i32 = arith.constant 0 : i32
    %c0_i32_0 = arith.constant 0 : i32
    return %c0_i32, %arg0 : i32, i32
  }
  func.func @transform_1(%arg0: i32) -> (i32, i32) {
    %c0_i32 = arith.constant 0 : i32
    %c0_i32_0 = arith.constant 0 : i32
    %c0_i32_1 = arith.constant 0 : i32
    return %c0_i32, %c0_i32_0 : i32, i32
  }
  func.func @transform_2(%arg0: i32) -> i32 {
    %c0_i32 = arith.constant 0 : i32
    return %arg0 : i32
  }
}

</mosaic_0001>

<sc_bundles>
// kernel: kernel.4.cloned.1.call-start
scs
__scs_entry_jumppad:
0x0: {  	(pc) =	sbr.rel $0x88, $3  }
0x1: {  	(tag) =	ssettag $0x0;
	lr =	simm.s32 $0x1  }
0x2: {  	[smem:$0x3F9F] =	sst lr;
	_ =	strace $0xD0000000  }
0x3: {  	_ = 	snop  }
0x4: {  	_ = 	snop  }
0x5: {  	_ = 	snop  }
0x6: {  	_ = 	snop  }
0x7: {  	_ = 	snop  }
__scs_overlays_trampoline_lowered:
0x8: {  	[smem:$0x3FAE] =	sst s0  }
0x9: {  	[smem:$0x3FAF] =	sst s1  }
0xa: {  	[smem:$0x3FB0] =	sst s2  }
0xb: {  	[smem:$0x3FB1] =	sst s3  }
0xc: {  	[smem:$0x3FB2] =	sst s4  }
0xd: {  	[smem:$0x3FB3] =	sst s5  }
0xe: {  	[smem:$0x3FB4] =	sst s6  }
0xf: {  	[smem:$0x3FB5] =	sst s7  }
0x10: {  	[smem:$0x3FB6] =	sst s8  }
0x11: {  	[smem:$0x3FB7] =	sst s9;
	s0 =	simm.s32 @!p0 $0x0  }
0x12: {  	s1 =	sld [smem:$0x3F9D];
	s0 =	simm.s32 @p0 $0x1  }
0x13: {  	[smem:$0x3FB8] =	sst s0;
	s0 =	simm.s32 @!p1 $0x0  }
0x14: {  	s2 =	sld [smem:$0x3F9C];
	s0 =	simm.s32 @p1 $0x1  }
0x15: {  	[smem:$0x3FB9] =	sst s0;
	s0 =	simm.s32 @!p2 $0x0  }
0x16: {  	s3 =	sld [smem:$0x3FDB];
	s0 =	simm.s32 @p2 $0x1  }
0x17: {  	s4 =	simm.s32 $0x1BF5;
	[smem:$0x3FBB] =	sst s0  }
0x18: {  	s0 =	sld [smem:$0x3F9E];
	_ =	swait.ge [sflag:s4], $0x0  }
0x19: {  	s7 =	sld [smem:$0x3F9F]  }
0x1a: {  	s8 =	sadd.s32 $0xFFFFE003, lr  }
0x1b: {  	s9 =	sadd.s32 $0xFFFFFEF7, lr;
	s5 =	simm.s32 $0xFFFFFFFF;
	p2 =	slt.u32 s8, $0xFFFFF086  }
0x1c: {  	p1 =	slt.u32 s9, $0xF7A;
	s5 =	simm.s32 @!p2 $0x0  }
0x1d: {  	s5 =	simm.s32 @p1 $0x1;
	p0 =	seq.s32 s7, s2  }
0x1e: {  	s7 =	smul.u32 @!p0 $0xF7A, s2;
	p2 =	seq.s32 @!p0 s5, $0x0  }
0x1f: {  	s9 =	smul.u32 $0xF7A, s1;
	s8 =	simm.s32 @!p0 $0x1BF5;
	p2 =	por !p2, p0  }
0x20: {  	[sflag:s8] =	ssyncset.s32 @!p0 $0xFFFFF086;
	s6 =	sadd.s32 @!p0 s3, s7;
	s7 =	simm.s32 @!p0 $0x108  }
0x21: {  	s3 =	sadd.s32 s3, s9;
	s6 =	sadd.s32 @!p0 $0x88, s6;
	s7 =	simm.s32 @p2 $0x1082  }
0x22: {  	[simem:s7], [sflag:s8] =	dma.local @!p0 [hbm:s6], $0xF7A  }
0x23: {  	s9 =	sor.u32 $0xD0000000, s2;
	s6 =	simm.s32 $0x108;
	_ =	swait.ge @!p0 [sflag:s8], $0x0  }
0x24: {  	s3 =	sadd.s32 $0x88, s3;
	s6 =	simm.s32 @!p1 $0x1082;
	[sflag:s4] =	ssyncset.s32 $0xFFFFF086  }
0x25: {  	[simem:s6], [sflag:s4] =	dma.local [hbm:s3], $0xF7A  }
0x26: {  	[smem:$0x3F9F] =	sst s1;
	(tag) =	ssettag s2;
	_ =	strace s9  }
0x27: {  	s1 =	sld [smem:$0x3FAF]  }
0x28: {  	s2 =	sld [smem:$0x3FB0]  }
0x29: {  	s4 =	sld [smem:$0x3FB2]  }
0x2a: {  	p0 =	seq.s32 s5, $0x0;
	s5 =	sld [smem:$0x3FB3]  }
0x2b: {  	s6 =	sld [smem:$0x3FB4]  }
0x2c: {  	s7 =	sld [smem:$0x3FB5]  }
0x2d: {  	s3 =	simm.s32 $0x108;
	s8 =	sld [smem:$0x3FB6]  }
0x2e: {  	s3 =	simm.s32 @!p0 $0x1082;
	s9 =	sld [smem:$0x3FB7]  }
0x2f: {  	lr =	sadd.s32 s0, s3;
	s0 =	sld [smem:$0x3FAE]  }
0x30: {  	s3 =	sld [smem:$0x3FB1]  }
0x31: {  	[smem:$0x3FBA] =	sst s10  }
0x32: {  	s10 =	sld [smem:$0x3FB8];
	_ =	sdelay $0x3  }
0x33: {  	p0 =	seq.s32 s10, $0x1;
	s10 =	sld [smem:$0x3FBA];
	_ =	sdelay $0x3  }
0x34: {  	[smem:$0x3FBA] =	sst s10  }
0x35: {  	s10 =	sld [smem:$0x3FB9];
	_ =	sdelay $0x3  }
0x36: {  	p1 =	seq.s32 s10, $0x1;
	s10 =	sld [smem:$0x3FBA];
	_ =	sdelay $0x3  }
0x37: {  	[smem:$0x3FBA] =	sst s10  }
0x38: {  	s10 =	sld [smem:$0x3FBB]  }
0x39: {  	_ = 	snop;
	(pc) =	sbr.ind lr, $3  }
0x3a: {  	_ = 	snop  }
0x3b: {  	_ = 	snop  }
0x3c: {  	p2 =	seq.s32 s10, $0x1;
	s10 =	sld [smem:$0x3FBA]  }
0x3d: {  	_ =	shalt  }
0x3e: {  	_ =	shalt  }
0x3f: {  	_ =	shalt  }
0x40: {  	_ =	shalt  }
0x41: {  	_ =	shalt  }
0x42: {  	_ =	shalt  }
0x43: {  	_ =	shalt  }
0x44: {  	_ =	shalt  }
0x45: {  	_ =	shalt  }
0x46: {  	_ =	shalt  }
0x47: {  	_ =	shalt  }
0x48: {  	_ =	shalt  }
0x49: {  	_ =	shalt  }
0x4a: {  	_ =	shalt  }
0x4b: {  	_ =	shalt  }
0x4c: {  	_ =	shalt  }
0x4d: {  	_ =	shalt  }
0x4e: {  	_ =	shalt  }
0x4f: {  	_ =	shalt  }
0x50: {  	_ =	shalt  }
0x51: {  	_ =	shalt  }
0x52: {  	_ =	shalt  }
0x53: {  	_ =	shalt  }
0x54: {  	_ =	shalt  }
0x55: {  	_ =	shalt  }
0x56: {  	_ =	shalt  }
0x57: {  	_ =	shalt  }
0x58: {  	_ =	shalt  }
0x59: {  	_ =	shalt  }
0x5a: {  	_ =	shalt  }
0x5b: {  	_ =	shalt  }
0x5c: {  	_ =	shalt  }
0x5d: {  	_ =	shalt  }
0x5e: {  	_ =	shalt  }
0x5f: {  	_ =	shalt  }
0x60: {  	_ =	shalt  }
0x61: {  	_ =	shalt  }
0x62: {  	_ =	shalt  }
0x63: {  	_ =	shalt  }
0x64: {  	_ =	shalt  }
0x65: {  	_ =	shalt  }
0x66: {  	_ =	shalt  }
0x67: {  	_ =	shalt  }
0x68: {  	_ =	shalt  }
0x69: {  	_ =	shalt  }
0x6a: {  	_ =	shalt  }
0x6b: {  	_ =	shalt  }
0x6c: {  	_ =	shalt  }
0x6d: {  	_ =	shalt  }
0x6e: {  	_ =	shalt  }
0x6f: {  	_ =	shalt  }
0x70: {  	_ =	shalt  }
0x71: {  	_ =	shalt  }
0x72: {  	_ =	shalt  }
0x73: {  	_ =	shalt  }
0x74: {  	_ =	shalt  }
0x75: {  	_ =	shalt  }
0x76: {  	_ =	shalt  }
0x77: {  	_ =	shalt  }
0x78: {  	_ =	shalt  }
0x79: {  	_ =	shalt  }
0x7a: {  	_ =	shalt  }
0x7b: {  	_ =	shalt  }
0x7c: {  	_ =	shalt  }
0x7d: {  	_ =	shalt  }
0x7e: {  	_ =	shalt  }
0x7f: {  	_ =	shalt  }
0x80: {  	_ =	shalt  }
0x81: {  	_ =	shalt  }
0x82: {  	_ =	shalt  }
0x83: {  	_ =	shalt  }
0x84: {  	_ =	shalt  }
0x85: {  	_ =	shalt  }
0x86: {  	_ =	shalt  }
0x87: {  	_ =	shalt  }
.Lfunc_end0:
.L_simem_size_0:
called_computation_lowered:
.L_overlay_start_0:
0x88: {  	s2 =	sld [smem:$0x3FD9]  }
0x89: {  	s3 =	sld [smem:$0x3FFE];
	_ =	sdelay $0x1  }
0x8a: {  	s1 =	srdreg.scid  }
0x8b: {  	s0 =	sand.u32 $0x1, s1  }
0x8c: {  	s17 =	sshll.u32 s0, $0xA;
	s2 =	sadd.s32 s3, s2  }
0x8d: {  	s2 =	sadd.s32 s2, s17  }
0x8e: {  	[smem:$0x3FC6] =	sst s2  }
0x8f: {  	_ = 	snop  }
0x90: {  	s2 =	sld [smem:$0x3FC9]  }
0x91: {  	s18 =	sld [smem:$0x3FC8]  }
0x92: {  	s4 =	sld [smem:$0x3FD0];
	(tm) =	ssettm $0x1  }
0x93: {  	s5 =	sld [smem:$0x3FFB];
	_ =	sdelay $0x3  }
0x94: {  	_ =	strace s5  }
0x95: {  	s5 =	sld [smem:$0x3FFC];
	_ =	sdelay $0x3  }
0x96: {  	_ =	strace s5  }
0x97: {  	s5 =	sld [smem:$0x3FFD];
	_ =	sdelay $0x3  }
0x98: {  	_ =	strace s5  }
0x99: {  	_ =	strace $0x8FFFFFFF  }
0x9a: {  	s19 =	sld [smem:$0x3FDB];
	_ =	sdelay $0x1  }
0x9b: {  	s6 =	simm.s32 $_scs_section_size  }
0x9c: {  	s7 =	simm.s32 $_size__tile_overlayer_lowered;
	s8 =	simm.s32 $_tile_overlayer_lowered  }
0x9d: {  	s22 =	simm.s32 $0x1BFF;
	s21 =	sshll.u32 s8, $0x1;
	s5 =	sadd.s32 s6, s19  }
0x9e: {  	s9 =	simm.s32 $0x0;
	s20 =	sshll.u32 s7, $0x1;
	s7 =	sadd.s32 s21, s5  }
0x9f: {  	[timem:s9], [sflag:s22] =	dma.local [hbm:s7], s20  }
0xa0: {  	_ =	swait.ge [sflag:s22], s20  }
0xa1: {  	s6 =	ssub.s32 $0x0, s20;
	[sflag:s22] =	ssyncset.done $0x0  }
0xa2: {  	[sflag:s22] =	ssyncadd.s32 s6;
	_ =	sdelay $0x1  }
0xa3: {  	s23 =	simm.s32 $0x1B8B  }
0xa4: {  	_ =	swait.ge [sflag:s23], $0x1  }
0xa5: {  	[sflag:s23] =	ssyncset.done $0x0  }
0xa6: {  	s25 =	simm.s32 $0x1B8E;
	s24 =	sld [smem:$0x3FFE];
	[sflag:s23] =	ssyncadd.s32 $0xFFFFFFFF  }
0xa7: {  	s26 =	simm.s32 $execute0_lowered;
	[smem:$0x3FD2] =	sst s25  }
0xa8: {  	s7 =	sshll.u32 s26, $0x1;
	_ =	strace $0x80000046;
	[dreg:$0x1] =	wrdreg $0xFFFFFFFF  }
0xa9: {  	s28 =	simm.s32 $_size_execute0_lowered;
	s5 =	sadd.s32 s5, s7;
	[dreg:$0x0] =	wrdreg $0x0  }
0xaa: {  	s7 =	sshll.u32 s28, $0x1;
	[dreg:$0x2] =	wrdreg s5  }
0xab: {  	[dreg:$0x3] =	wrdreg s7  }
0xac: {  	[dreg:$0x4] =	wrdreg $0xC0  }
0xad: {  	_ =	task [dreg:s9], $0x5FFFF  }
0xae: {  	[dreg:$0x1] =	wrdreg $0xFFFFFFFF  }
0xaf: {  	[dreg:$0x0] =	wrdreg $0x60  }
0xb0: {  	[dreg:$0x2] =	wrdreg s2  }
0xb1: {  	[dreg:$0x3] =	wrdreg s18  }
0xb2: {  	[dreg:$0x4] =	wrdreg s24  }
0xb3: {  	[dreg:$0x5] =	wrdreg s4  }
0xb4: {  	[dreg:$0x6] =	wrdreg $0x9  }
0xb5: {  	_ =	task.clear_ibuf [dreg:s9], $0x7FFFF;
	_ =	strace $0x90000046  }
0xb6: {  	s29 =	simm.s32 $0x9;
	_ =	strace $0x80000048  }
0xb7: {  	_ =	swait.ge [sflag:s29], $0x1  }
0xb8: {  	[sflag:s29] =	ssyncadd.s32 $0xFFFFFFFF  }
0xb9: {  	_ =	strace $0x90000048  }
0xba: {  	_ =	sfence  }
0xbb: {  	s30 =	sld [smem:$0x0];
	_ =	sdelay $0x2  }
0xbc: {  	s31 =	sshll.u32 s1, $0xD;
	s1 =	sshrl.u32 s1, $0x2  }
0xbd: {  	s3 =	sand.u32 $0x4000, s31;
	s1 =	sadd.s32 s1, s30  }
0xbe: {  	s0 =	sor.u32 s3, s0;
	s1 =	sshll.u32 s1, $0x11  }
0xbf: {  	s0 =	sor.u32 s1, s0  }
0xc0: {  	s0 =	sadd.s32 $0x8F2B, s0  }
0xc1: {  	[sflag:s0] =	ssyncadd.remote.s32 $0x1  }
0xc2: {  	_ =	sfence.sel $0xFFFF  }
0xc3: {  	[dreg:$0x0] =	wrdreg $0xFFFFFFFF;
	(pc) =	sbr.abs _section_cstart, $3  }
0xc4: {  	[dreg:$0x1] =	wrdreg $0xFFFFFFFF  }
0xc5: {  	_ =	task.clear_ibuf [dreg:s9], $0x2FFFF;
	_ =	strace $0x9FFFFFFF  }
0xc6: {  	(tm) =	ssettm $0x7FFFFFFF  }
0xc7: {  	_ =	shalt  }
tec
execute0_lowered:
.L_overlay_start_1:
0x0: {  	(tag) =	ssettag $0x1  }
0x1: {  	s1 =	rddreg [dreg:$0x0]  }
0x2: {  	s2 =	rddreg [dreg:$0x1]  }
0x3: {  	s0 =	srdreg.scid;
	s5 =	rddreg [dreg:$0x2]  }
0x4: {  	s4 =	stileid.u32;
	s7 =	rddreg [dreg:$0x3]  }
0x5: {  	s19 =	simm.s32 $0x18780;
	s28 =	simm.s32 $0x3;
	s29 =	simm.s32 $0x4  }
0x6: {  	s30 =	simm.s32 $0x5;
	s31 =	simm.s32 $0x6;
	s0 =	sand.u32 $0x1, s0  }
0x7: {  	s3 =	sshll.u32 s4, $0x1;
	s6 =	sshrl.u32 s4, $0x2;
	s4 =	simm.s32 $0x0  }
0x8: {  	s3 =	sor.u32 s0, s3;
	s8 =	smul.u32 $0xC3800, s6;
	[smem:$0x7FF] =	sst s4  }
0x9: {  	s0 =	ssub.s32 $0x2, s0;
	s6 =	sshll.u32 s6, $0xA;
	s9 =	sshll.u32 s3, $0x7  }
0xa: {  	_ =	strace $0x80000047;
	s20 =	sshrl.u32 s0, $0x1;
	s13 =	sshll.u32 s3, $0xF  }
0xb: {  	s3 =	sshll.u32 s3, $0x12;
	s9 =	sand.u32 $0x380, s9;
	s0 =	ssub.s32 s0, s20  }
0xc: {  	s21 =	sadd.s32 s1, s13;
	s22 =	sadd.s32 s2, s13;
	s23 =	sor.u32 $0x200, s13  }
0xd: {  	s10 =	sor.u32 $0x400, s13;
	s12 =	sor.u32 $0x4000, s3;
	s25 =	sor.u32 $0x7E00, s13  }
0xe: {  	s13 =	sor.u32 $0x5000, s3;
	s20 =	simm.s32 $0x1B780;
	[dreg:$0x5] =	wrdreg s21  }
0xf: {  	s8 =	sor.u32 s8, s9;
	[dreg:$0x6] =	wrdreg s22;
	s11 =	sadd.s32 s1, s23  }
0x10: {  	s24 =	sadd.s32 s1, s10;
	s10 =	sadd.s32 s2, s10;
	s6 =	sor.u32 s6, s9  }
0x11: {  	s14 =	sadd.s32 s1, s25;
	s15 =	sadd.s32 s2, s25;
	s18 =	smax.u32 s0, $0x1  }
0x12: {  	s21 =	simm.s32 $0x19780;
	s22 =	simm.s32 $0x1C780;
	s25 =	simm.s32 $0x1  }
0x13: {  	s0 =	simm.s32 $0x0;
	s8 =	sshrl.u32 s8, $0x3;
	[dreg:$0x7] =	wrdreg s11  }
0x14: {  	[dreg:$0x9] =	wrdreg s24;
	s11 =	sor.u32 $0x3000, s3;
	s26 =	sshrl.u32 s6, $0x3  }
0x15: {  	s24 =	simm.s32 $0x1D780;
	s3 =	simm.s32 $0x7;
	s5 =	sadd.s32 s8, s5  }
0x16: {  	s8 =	sadd.s32 s2, s23;
	s17 =	sadd.s32 s7, s26;
	s23 =	simm.s32 $0x1A780  }
0x17: {  	s26 =	simm.s32 $0x2;
	[dreg:$0x8] =	wrdreg s8;
	s16 =	sadd.s32 $0xC00, s5  }
.LBB2_1:
0x18: {  	s5 =	rddreg [dreg:$0x5]  }
0x19: {  	[tilespmem:s19], [sflag:$0x1] =	stream.linear.gather [hbm4b:s5+s4], $0x1000, $0x38;
	[tilespmem:$0x1E780] =	vst v63  }
0x1a: {  	s9 =	rddreg [dreg:$0x6]  }
0x1b: {  	[tilespmem:s20], [sflag:$0x2] =	stream.linear.gather [hbm4b:s9+s4], $0x1000, $0x38;
	[tilespmem:$0x1E780] =	vst v63  }
0x1c: {  	s6 =	rddreg [dreg:$0x7]  }
0x1d: {  	[tilespmem:s21], [sflag:$0x3] =	stream.linear.gather [hbm4b:s6+s4], $0x1000, $0x38;
	[tilespmem:$0x1E780] =	vst v63  }
0x1e: {  	s7 =	rddreg [dreg:$0x8]  }
0x1f: {  	[tilespmem:s22], [sflag:$0x4] =	stream.linear.gather [hbm4b:s7+s4], $0x1000, $0x38;
	[tilespmem:$0x1E780] =	vst v63  }
0x20: {  	s8 =	rddreg [dreg:$0x9];
	s6 =	simm.s32 $0x0  }
0x21: {  	[tilespmem:s23], [sflag:$0x5] =	stream.linear.gather [hbm4b:s8+s4], $0x1000, $0x38;
	[tilespmem:$0x1E780] =	vst v63  }
0x22: {  	s9 =	sand.u32 $0x1FFE0, s6  }
0x23: {  	v0 =	vimm.f32 $0.0e+00;
	[tilespmem:s24], [sflag:$0x6] =	stream.linear.gather [hbm4b:s10+s4], $0x1000, $0x38;
	[tilespmem:$0x1E780] =	vst v63  }
0x24: {  	s7 =	simm.s32 $0x50;
	[tilespmem:s9+$0x80] =	vst v0  }
0x25: {  	[tilespmem:s7+$0xFFFFFFB0] =	vst v0  }
0x26: {  	[tilespmem:s7+$0xFFFFFFC0] =	vst v0  }
0x27: {  	[tilespmem:s7+$0xFFFFFFD0] =	vst v0  }
0x28: {  	[tilespmem:s7+$0xFFFFFFE0] =	vst v0  }
0x29: {  	[tilespmem:s7+$0xFFFFFFF0] =	vst v0  }
0x2a: {  	[tilespmem:s7+$0x0] =	vst v0  }
0x2b: {  	[tilespmem:s7+$0x10] =	vst v0  }
.LBB2_2:
0x2c: {  	s6 =	sadd.s32 $0xA0, s6;
	[tilespmem:s7+$0x20] =	vst v0  }
0x2d: {  	s5 =	sand.u32 $0x1FFE0, s6;
	p0 =	slt.u32 s6, $0x18600;
	[tilespmem:s7+$0x40] =	vst v0  }
0x2e: {  	s7 =	sadd.s32 $0xA0, s7;
	[tilespmem:s5+$0x80] =	vst v0;
	s5 =	simm.s32 $0x0  }
0x2f: {  	[tilespmem:s7+$0xFFFFFFB0] =	vst v0  }
0x30: {  	[tilespmem:s7+$0xFFFFFFC0] =	vst v0  }
.Ltmp0:
0x31: {  	[tilespmem:s7+$0xFFFFFFD0] =	vst v0;
	(pc) =	sbr.rel @p0 .LBB2_2-.Ltmp0, $4  }
0x32: {  	[tilespmem:s7+$0xFFFFFFE0] =	vst v0  }
0x33: {  	[tilespmem:s7+$0xFFFFFFF0] =	vst v0  }
0x34: {  	[tilespmem:s7+$0x0] =	vst v0  }
0x35: {  	[tilespmem:s7+$0x10] =	vst v0  }
0x36: {  	[tilespmem:s7+$0x20] =	vst v0;
	v1 =	vmov v0;
	v2 =	vmov v0  }
0x37: {  	[tilespmem:s7+$0x40] =	vst v0;
	v4 =	vmovc v0;
	v5 =	vmovc v0;
	v6 =	vmov v0;
	v7 =	vmov v0;
	v3 =	vmov v0  }
.LBB2_4:
0x38: {  	_ =	swait.ge [sflag:s25], $0x1000  }
0x39: {  	[sflag:s25] =	ssyncset.done $0x0  }
0x3a: {  	[sflag:s25] =	ssyncadd.s32 $0xFFFFF000  }
0x3b: {  	_ =	swait.ge [sflag:s26], $0x1000  }
0x3c: {  	[sflag:s26] =	ssyncset.done $0x0  }
0x3d: {  	s7 =	simm.s32 $0x187C0;
	[sflag:s26] =	ssyncadd.s32 $0xFFFFF000  }
0x3e: {  	v8 =	vld [tilespmem:s7+$0x30]  }
0x3f: {  	v9 =	vld [tilespmem:s7+$0xFFFFFFC0]  }
0x40: {  	s6 =	simm.s32 $0x1B7C0;
	v10 =	vld [tilespmem:s7+$0xFFFFFFD0]  }
0x41: {  	v11 =	vld [tilespmem:s6+$0x30]  }
0x42: {  	v12 =	vld [tilespmem:s7+$0xFFFFFFE0]  }
0x43: {  	v13 =	vld [tilespmem:s7+$0xFFFFFFF0]  }
0x44: {  	v14 =	vld [tilespmem:s7+$0x0]  }
0x45: {  	v15 =	vld [tilespmem:s7+$0x10]  }
0x46: {  	v16 =	vld [tilespmem:s6+$0xFFFFFFD0]  }
0x47: {  	v17 =	vld [tilespmem:s6+$0xFFFFFFE0]  }
0x48: {  	v18 =	vld [tilespmem:s6+$0xFFFFFFF0]  }
0x49: {  	v19 =	vld [tilespmem:s6+$0x0]  }
0x4a: {  	v20 =	vld [tilespmem:s6+$0x10]  }
0x4b: {  	v21 =	vld [tilespmem:s6+$0xFFFFFFC0]  }
0x4c: {  	[tilespmem:v8+s4+$0x0] =	vst.idx.add.f32.msk $0xffff, v11  }
0x4d: {  	v8 =	vld [tilespmem:s7+$0x20]  }
0x4e: {  	v63 =	vld [tilespmem:s6+$0x20]  }
0x4f: {  	[tilespmem:v10+s4+$0x0] =	vst.idx.add.f32.msk $0xffff, v16  }
0x50: {  	[tilespmem:v12+s4+$0x0] =	vst.idx.add.f32.msk $0xffff, v17  }
0x51: {  	[tilespmem:v13+s4+$0x0] =	vst.idx.add.f32.msk $0xffff, v18  }
0x52: {  	v0 =	vadd.f32 v11, v0;
	v7 =	vadd.f32 v16, v7;
	[tilespmem:v14+s4+$0x0] =	vst.idx.add.f32.msk $0xffff, v19  }
0x53: {  	v6 =	vadd.f32 v17, v6;
	v5 =	vadd.f32 v18, v5;
	[tilespmem:v9+s4+$0x0] =	vst.idx.add.f32.msk $0xffff, v21  }
0x54: {  	v4 =	vadd.f32 v19, v4;
	v2 =	vadd.f32 v20, v2;
	[tilespmem:v15+s4+$0x0] =	vst.idx.add.f32.msk $0xffff, v20  }
0x55: {  	s8 =	simm.s32 $0x18840;
	v1 =	vadd.f32 v63, v1;
	v3 =	vadd.f32 v21, v3;
	s7 =	simm.s32 $0x0;
	[tilespmem:v8+s4+$0x0] =	vst.idx.add.f32.msk $0xffff, v63  }
.LBB2_5:
0x56: {  	v8 =	vld [tilespmem:s8+$0x30];
	s7 =	sadd.s32 $0x80, s7  }
0x57: {  	v9 =	vld [tilespmem:s8+$0xFFFFFFC0];
	p0 =	slt.u32 s7, $0xF80  }
0x58: {  	s6 =	sadd.s32 $0x80, s6;
	v10 =	vld [tilespmem:s8+$0xFFFFFFD0]  }
0x59: {  	v11 =	vld [tilespmem:s6+$0x30]  }
0x5a: {  	v12 =	vld [tilespmem:s8+$0xFFFFFFE0]  }
0x5b: {  	v13 =	vld [tilespmem:s8+$0xFFFFFFF0]  }
0x5c: {  	v14 =	vld [tilespmem:s8+$0x0]  }
0x5d: {  	v15 =	vld [tilespmem:s8+$0x10]  }
0x5e: {  	[tilespmem:v8+s4+$0x0] =	vst.idx.add.f32.msk $0xffff, v11;
	v0 =	vadd.f32 v11, v0  }
0x5f: {  	v8 =	vld [tilespmem:s8+$0x20]  }
0x60: {  	v11 =	vld [tilespmem:s6+$0xFFFFFFD0]  }
0x61: {  	v16 =	vld [tilespmem:s6+$0xFFFFFFE0]  }
0x62: {  	v17 =	vld [tilespmem:s6+$0xFFFFFFF0]  }
0x63: {  	v18 =	vld [tilespmem:s6+$0x0]  }
0x64: {  	v19 =	vld [tilespmem:s6+$0x10]  }
0x65: {  	v7 =	vadd.f32 v11, v7;
	v20 =	vld [tilespmem:s6+$0x20]  }
0x66: {  	v21 =	vld [tilespmem:s6+$0xFFFFFFC0];
	v6 =	vadd.f32 v16, v6  }
0x67: {  	[tilespmem:v10+s4+$0x0] =	vst.idx.add.f32.msk $0xffff, v11;
	v5 =	vadd.f32 v17, v5  }
0x68: {  	[tilespmem:v12+s4+$0x0] =	vst.idx.add.f32.msk $0xffff, v16;
	v4 =	vadd.f32 v18, v4  }
.Ltmp1:
0x69: {  	[tilespmem:v13+s4+$0x0] =	vst.idx.add.f32.msk $0xffff, v17;
	v2 =	vadd.f32 v19, v2;
	(pc) =	sbr.rel @p0 .LBB2_5-.Ltmp1, $4  }
0x6a: {  	[tilespmem:v14+s4+$0x0] =	vst.idx.add.f32.msk $0xffff, v18;
	v1 =	vadd.f32 v20, v1  }
0x6b: {  	[tilespmem:v9+s4+$0x0] =	vst.idx.add.f32.msk $0xffff, v21;
	v3 =	vadd.f32 v21, v3  }
0x6c: {  	[tilespmem:v15+s4+$0x0] =	vst.idx.add.f32.msk $0xffff, v19  }
0x6d: {  	s8 =	sadd.s32 $0x80, s8;
	[tilespmem:v8+s4+$0x0] =	vst.idx.add.f32.msk $0xffff, v20  }
0x6e: {  	s6 =	smul.u32 $0x3000, s5;
	_ =	sdelay $0x1  }
0x6f: {  	s7 =	sadd.s32 s6, s11  }
0x70: {  	s7 =	sshrl.u32 s7, $0x3  }
0x71: {  	s8 =	sadd.s32 s1, s7  }
0x72: {  	[tilespmem:s19], [sflag:$0x1] =	stream.linear.gather [hbm4b:s8+s4], $0x1000, $0x38;
	[tilespmem:$0x1E780] =	vst v63  }
0x73: {  	s7 =	sadd.s32 s2, s7  }
0x74: {  	[tilespmem:s20], [sflag:$0x2] =	stream.linear.gather [hbm4b:s7+s4], $0x1000, $0x38;
	[tilespmem:$0x1E780] =	vst v63  }
0x75: {  	_ =	swait.ge [sflag:s28], $0x1000  }
0x76: {  	[sflag:s28] =	ssyncset.done $0x0  }
0x77: {  	[sflag:s28] =	ssyncadd.s32 $0xFFFFF000  }
0x78: {  	_ =	swait.ge [sflag:s29], $0x1000  }
0x79: {  	[sflag:s29] =	ssyncset.done $0x0  }
0x7a: {  	s9 =	simm.s32 $0x197C0;
	[sflag:s29] =	ssyncadd.s32 $0xFFFFF000  }
0x7b: {  	v8 =	vld [tilespmem:s9+$0x30]  }
0x7c: {  	v9 =	vld [tilespmem:s9+$0xFFFFFFC0]  }
0x7d: {  	s7 =	simm.s32 $0x1C7C0;
	v10 =	vld [tilespmem:s9+$0xFFFFFFD0]  }
0x7e: {  	v11 =	vld [tilespmem:s7+$0x30]  }
0x7f: {  	v12 =	vld [tilespmem:s9+$0xFFFFFFE0]  }
0x80: {  	v13 =	vld [tilespmem:s9+$0xFFFFFFF0]  }
0x81: {  	v14 =	vld [tilespmem:s9+$0x0]  }
0x82: {  	v15 =	vld [tilespmem:s9+$0x10]  }
0x83: {  	v16 =	vld [tilespmem:s7+$0xFFFFFFD0]  }
0x84: {  	v17 =	vld [tilespmem:s7+$0xFFFFFFE0]  }
0x85: {  	v18 =	vld [tilespmem:s7+$0xFFFFFFF0]  }
0x86: {  	v19 =	vld [tilespmem:s7+$0x0]  }
0x87: {  	v20 =	vld [tilespmem:s7+$0x10]  }
0x88: {  	v21 =	vld [tilespmem:s7+$0xFFFFFFC0]  }
0x89: {  	[tilespmem:v8+s4+$0x0] =	vst.idx.add.f32.msk $0xffff, v11  }
0x8a: {  	v8 =	vld [tilespmem:s9+$0x20]  }
0x8b: {  	v63 =	vld [tilespmem:s7+$0x20]  }
0x8c: {  	[tilespmem:v10+s4+$0x0] =	vst.idx.add.f32.msk $0xffff, v16  }
0x8d: {  	[tilespmem:v12+s4+$0x0] =	vst.idx.add.f32.msk $0xffff, v17  }
0x8e: {  	[tilespmem:v13+s4+$0x0] =	vst.idx.add.f32.msk $0xffff, v18  }
0x8f: {  	v0 =	vadd.f32 v11, v0;
	v7 =	vadd.f32 v16, v7;
	[tilespmem:v14+s4+$0x0] =	vst.idx.add.f32.msk $0xffff, v19  }
0x90: {  	v6 =	vadd.f32 v17, v6;
	v5 =	vadd.f32 v18, v5;
	[tilespmem:v9+s4+$0x0] =	vst.idx.add.f32.msk $0xffff, v21  }
0x91: {  	v4 =	vadd.f32 v19, v4;
	v2 =	vadd.f32 v20, v2;
	[tilespmem:v15+s4+$0x0] =	vst.idx.add.f32.msk $0xffff, v20  }
0x92: {  	s8 =	simm.s32 $0x0;
	v1 =	vadd.f32 v63, v1;
	v3 =	vadd.f32 v21, v3;
	s9 =	simm.s32 $0x19840;
	[tilespmem:v8+s4+$0x0] =	vst.idx.add.f32.msk $0xffff, v63  }
.LBB2_7:
0x93: {  	v8 =	vld [tilespmem:s9+$0x30];
	s8 =	sadd.s32 $0x80, s8  }
0x94: {  	v9 =	vld [tilespmem:s9+$0xFFFFFFC0];
	p0 =	slt.u32 s8, $0xF80  }
0x95: {  	s7 =	sadd.s32 $0x80, s7;
	v10 =	vld [tilespmem:s9+$0xFFFFFFD0]  }
0x96: {  	v11 =	vld [tilespmem:s7+$0x30]  }
0x97: {  	v12 =	vld [tilespmem:s9+$0xFFFFFFE0]  }
0x98: {  	v13 =	vld [tilespmem:s9+$0xFFFFFFF0]  }
0x99: {  	v14 =	vld [tilespmem:s9+$0x0]  }
0x9a: {  	v15 =	vld [tilespmem:s9+$0x10]  }
0x9b: {  	[tilespmem:v8+s4+$0x0] =	vst.idx.add.f32.msk $0xffff, v11;
	v0 =	vadd.f32 v11, v0  }
0x9c: {  	v8 =	vld [tilespmem:s9+$0x20]  }
0x9d: {  	v11 =	vld [tilespmem:s7+$0xFFFFFFD0]  }
0x9e: {  	v16 =	vld [tilespmem:s7+$0xFFFFFFE0]  }
0x9f: {  	v17 =	vld [tilespmem:s7+$0xFFFFFFF0]  }
0xa0: {  	v18 =	vld [tilespmem:s7+$0x0]  }
0xa1: {  	v19 =	vld [tilespmem:s7+$0x10]  }
0xa2: {  	v7 =	vadd.f32 v11, v7;
	v20 =	vld [tilespmem:s7+$0x20]  }
0xa3: {  	v21 =	vld [tilespmem:s7+$0xFFFFFFC0];
	v6 =	vadd.f32 v16, v6  }
0xa4: {  	[tilespmem:v10+s4+$0x0] =	vst.idx.add.f32.msk $0xffff, v11;
	v5 =	vadd.f32 v17, v5  }
0xa5: {  	[tilespmem:v12+s4+$0x0] =	vst.idx.add.f32.msk $0xffff, v16;
	v4 =	vadd.f32 v18, v4  }
.Ltmp2:
0xa6: {  	[tilespmem:v13+s4+$0x0] =	vst.idx.add.f32.msk $0xffff, v17;
	v2 =	vadd.f32 v19, v2;
	(pc) =	sbr.rel @p0 .LBB2_7-.Ltmp2, $4  }
0xa7: {  	[tilespmem:v14+s4+$0x0] =	vst.idx.add.f32.msk $0xffff, v18;
	v1 =	vadd.f32 v20, v1  }
0xa8: {  	[tilespmem:v9+s4+$0x0] =	vst.idx.add.f32.msk $0xffff, v21;
	v3 =	vadd.f32 v21, v3  }
0xa9: {  	[tilespmem:v15+s4+$0x0] =	vst.idx.add.f32.msk $0xffff, v19  }
0xaa: {  	s9 =	sadd.s32 $0x80, s9;
	[tilespmem:v8+s4+$0x0] =	vst.idx.add.f32.msk $0xffff, v20  }
0xab: {  	s7 =	sadd.s32 s6, s12  }
0xac: {  	s7 =	sshrl.u32 s7, $0x3  }
0xad: {  	s8 =	sadd.s32 s1, s7  }
0xae: {  	[tilespmem:s21], [sflag:$0x3] =	stream.linear.gather [hbm4b:s8+s4], $0x1000, $0x38;
	[tilespmem:$0x1E780] =	vst v63  }
0xaf: {  	s7 =	sadd.s32 s2, s7  }
0xb0: {  	[tilespmem:s22], [sflag:$0x4] =	stream.linear.gather [hbm4b:s7+s4], $0x1000, $0x38;
	[tilespmem:$0x1E780] =	vst v63  }
0xb1: {  	_ =	swait.ge [sflag:s30], $0x1000  }
0xb2: {  	[sflag:s30] =	ssyncset.done $0x0  }
0xb3: {  	[sflag:s30] =	ssyncadd.s32 $0xFFFFF000  }
0xb4: {  	_ =	swait.ge [sflag:s31], $0x1000  }
0xb5: {  	[sflag:s31] =	ssyncset.done $0x0  }
0xb6: {  	s9 =	simm.s32 $0x1A7C0;
	[sflag:s31] =	ssyncadd.s32 $0xFFFFF000  }
0xb7: {  	v8 =	vld [tilespmem:s9+$0x30]  }
0xb8: {  	v9 =	vld [tilespmem:s9+$0xFFFFFFC0]  }
0xb9: {  	s7 =	simm.s32 $0x1D7C0;
	v10 =	vld [tilespmem:s9+$0xFFFFFFD0]  }
0xba: {  	v11 =	vld [tilespmem:s7+$0x30]  }
0xbb: {  	v12 =	vld [tilespmem:s9+$0xFFFFFFE0]  }
0xbc: {  	v13 =	vld [tilespmem:s9+$0xFFFFFFF0]  }
0xbd: {  	v14 =	vld [tilespmem:s9+$0x0]  }
0xbe: {  	v15 =	vld [tilespmem:s9+$0x10]  }
0xbf: {  	v16 =	vld [tilespmem:s7+$0xFFFFFFD0]  }
0xc0: {  	v17 =	vld [tilespmem:s7+$0xFFFFFFE0]  }
0xc1: {  	v18 =	vld [tilespmem:s7+$0xFFFFFFF0]  }
0xc2: {  	v19 =	vld [tilespmem:s7+$0x0]  }
0xc3: {  	v20 =	vld [tilespmem:s7+$0x10]  }
0xc4: {  	v21 =	vld [tilespmem:s7+$0xFFFFFFC0]  }
0xc5: {  	[tilespmem:v8+s4+$0x0] =	vst.idx.add.f32.msk $0xffff, v11  }
0xc6: {  	v8 =	vld [tilespmem:s9+$0x20]  }
0xc7: {  	v63 =	vld [tilespmem:s7+$0x20]  }
0xc8: {  	[tilespmem:v10+s4+$0x0] =	vst.idx.add.f32.msk $0xffff, v16  }
0xc9: {  	[tilespmem:v12+s4+$0x0] =	vst.idx.add.f32.msk $0xffff, v17  }
0xca: {  	[tilespmem:v13+s4+$0x0] =	vst.idx.add.f32.msk $0xffff, v18  }
0xcb: {  	v0 =	vadd.f32 v11, v0;
	v7 =	vadd.f32 v16, v7;
	[tilespmem:v14+s4+$0x0] =	vst.idx.add.f32.msk $0xffff, v19  }
0xcc: {  	v6 =	vadd.f32 v17, v6;
	v5 =	vadd.f32 v18, v5;
	[tilespmem:v9+s4+$0x0] =	vst.idx.add.f32.msk $0xffff, v21  }
0xcd: {  	v4 =	vadd.f32 v19, v4;
	v2 =	vadd.f32 v20, v2;
	[tilespmem:v15+s4+$0x0] =	vst.idx.add.f32.msk $0xffff, v20  }
0xce: {  	s8 =	simm.s32 $0x0;
	v1 =	vadd.f32 v63, v1;
	v3 =	vadd.f32 v21, v3;
	s9 =	simm.s32 $0x1A840;
	[tilespmem:v8+s4+$0x0] =	vst.idx.add.f32.msk $0xffff, v63  }
.LBB2_9:
0xcf: {  	v8 =	vld [tilespmem:s9+$0x30];
	s8 =	sadd.s32 $0x80, s8  }
0xd0: {  	v9 =	vld [tilespmem:s9+$0xFFFFFFC0];
	p0 =	slt.u32 s8, $0xF80  }
0xd1: {  	s7 =	sadd.s32 $0x80, s7;
	v10 =	vld [tilespmem:s9+$0xFFFFFFD0]  }
0xd2: {  	v11 =	vld [tilespmem:s7+$0x30]  }
0xd3: {  	v12 =	vld [tilespmem:s9+$0xFFFFFFE0]  }
0xd4: {  	v13 =	vld [tilespmem:s9+$0xFFFFFFF0]  }
0xd5: {  	v14 =	vld [tilespmem:s9+$0x0]  }
0xd6: {  	v15 =	vld [tilespmem:s9+$0x10]  }
0xd7: {  	[tilespmem:v8+s4+$0x0] =	vst.idx.add.f32.msk $0xffff, v11;
	v0 =	vadd.f32 v11, v0  }
0xd8: {  	v8 =	vld [tilespmem:s9+$0x20]  }
0xd9: {  	v11 =	vld [tilespmem:s7+$0xFFFFFFD0]  }
0xda: {  	v16 =	vld [tilespmem:s7+$0xFFFFFFE0]  }
0xdb: {  	v17 =	vld [tilespmem:s7+$0xFFFFFFF0]  }
0xdc: {  	v18 =	vld [tilespmem:s7+$0x0]  }
0xdd: {  	v19 =	vld [tilespmem:s7+$0x10]  }
0xde: {  	v7 =	vadd.f32 v11, v7;
	v20 =	vld [tilespmem:s7+$0x20]  }
0xdf: {  	v21 =	vld [tilespmem:s7+$0xFFFFFFC0];
	v6 =	vadd.f32 v16, v6  }
0xe0: {  	[tilespmem:v10+s4+$0x0] =	vst.idx.add.f32.msk $0xffff, v11;
	v5 =	vadd.f32 v17, v5  }
0xe1: {  	[tilespmem:v12+s4+$0x0] =	vst.idx.add.f32.msk $0xffff, v16;
	v4 =	vadd.f32 v18, v4  }
.Ltmp3:
0xe2: {  	[tilespmem:v13+s4+$0x0] =	vst.idx.add.f32.msk $0xffff, v17;
	v2 =	vadd.f32 v19, v2;
	(pc) =	sbr.rel @p0 .LBB2_9-.Ltmp3, $4  }
0xe3: {  	[tilespmem:v14+s4+$0x0] =	vst.idx.add.f32.msk $0xffff, v18;
	v1 =	vadd.f32 v20, v1  }
0xe4: {  	[tilespmem:v9+s4+$0x0] =	vst.idx.add.f32.msk $0xffff, v21;
	v3 =	vadd.f32 v21, v3  }
0xe5: {  	[tilespmem:v15+s4+$0x0] =	vst.idx.add.f32.msk $0xffff, v19  }
0xe6: {  	s9 =	sadd.s32 $0x80, s9;
	[tilespmem:v8+s4+$0x0] =	vst.idx.add.f32.msk $0xffff, v20  }
0xe7: {  	s5 =	sadd.s32 $0x1, s5  }
0xe8: {  	s6 =	sadd.s32 s6, s13;
	p0 =	sne.s32 s5, $0x14  }
.Ltmp4:
0xe9: {  	s6 =	sshrl.u32 s6, $0x3;
	(pc) =	sbr.rel @p0 .LBB2_4-.Ltmp4, $4  }
0xea: {  	s7 =	sadd.s32 s1, s6  }
0xeb: {  	[tilespmem:s23], [sflag:$0x5] =	stream.linear.gather [hbm4b:s7+s4], $0x1000, $0x38;
	[tilespmem:$0x1E780] =	vst v63  }
0xec: {  	s6 =	sadd.s32 s2, s6  }
0xed: {  	[tilespmem:s24], [sflag:$0x6] =	stream.linear.gather [hbm4b:s6+s4], $0x1000, $0x38;
	[tilespmem:$0x1E780] =	vst v63  }
0xee: {  	_ =	swait.ge [sflag:s25], $0x1000  }
0xef: {  	[sflag:s25] =	ssyncset.done $0x0  }
0xf0: {  	[sflag:s25] =	ssyncadd.s32 $0xFFFFF000  }
0xf1: {  	_ =	swait.ge [sflag:s26], $0x1000  }
0xf2: {  	[sflag:s26] =	ssyncset.done $0x0  }
0xf3: {  	s6 =	simm.s32 $0x187C0;
	[sflag:s26] =	ssyncadd.s32 $0xFFFFF000  }
0xf4: {  	v8 =	vld [tilespmem:s6+$0x30]  }
0xf5: {  	v9 =	vld [tilespmem:s6+$0xFFFFFFC0]  }
0xf6: {  	s5 =	simm.s32 $0x1B7C0;
	v10 =	vld [tilespmem:s6+$0xFFFFFFD0]  }
0xf7: {  	v11 =	vld [tilespmem:s5+$0x30]  }
0xf8: {  	v12 =	vld [tilespmem:s6+$0xFFFFFFE0]  }
0xf9: {  	v13 =	vld [tilespmem:s6+$0xFFFFFFF0]  }
0xfa: {  	v14 =	vld [tilespmem:s6+$0x0]  }
0xfb: {  	v15 =	vld [tilespmem:s6+$0x10]  }
0xfc: {  	v16 =	vld [tilespmem:s5+$0xFFFFFFD0]  }
0xfd: {  	v17 =	vld [tilespmem:s5+$0xFFFFFFE0]  }
0xfe: {  	v18 =	vld [tilespmem:s5+$0xFFFFFFF0]  }
0xff: {  	v19 =	vld [tilespmem:s5+$0x0]  }
0x100: {  	v20 =	vld [tilespmem:s5+$0x10]  }
0x101: {  	v21 =	vld [tilespmem:s5+$0xFFFFFFC0]  }
0x102: {  	[tilespmem:v8+s4+$0x0] =	vst.idx.add.f32.msk $0xffff, v11  }
0x103: {  	v8 =	vld [tilespmem:s6+$0x20]  }
0x104: {  	v63 =	vld [tilespmem:s5+$0x20]  }
0x105: {  	[tilespmem:v10+s4+$0x0] =	vst.idx.add.f32.msk $0xffff, v16  }
0x106: {  	[tilespmem:v12+s4+$0x0] =	vst.idx.add.f32.msk $0xffff, v17  }
0x107: {  	[tilespmem:v13+s4+$0x0] =	vst.idx.add.f32.msk $0xffff, v18  }
0x108: {  	v0 =	vadd.f32 v11, v0;
	v7 =	vadd.f32 v16, v7;
	[tilespmem:v14+s4+$0x0] =	vst.idx.add.f32.msk $0xffff, v19  }
0x109: {  	v6 =	vadd.f32 v17, v6;
	v5 =	vadd.f32 v18, v5;
	[tilespmem:v9+s4+$0x0] =	vst.idx.add.f32.msk $0xffff, v21  }
0x10a: {  	v4 =	vadd.f32 v19, v4;
	v2 =	vadd.f32 v20, v2;
	[tilespmem:v15+s4+$0x0] =	vst.idx.add.f32.msk $0xffff, v20  }
0x10b: {  	s7 =	simm.s32 $0x18840;
	v1 =	vadd.f32 v63, v1;
	v3 =	vadd.f32 v21, v3;
	s6 =	simm.s32 $0x0;
	[tilespmem:v8+s4+$0x0] =	vst.idx.add.f32.msk $0xffff, v63  }
.LBB2_12:
0x10c: {  	v8 =	vld [tilespmem:s7+$0x30];
	s6 =	sadd.s32 $0x80, s6  }
0x10d: {  	v9 =	vld [tilespmem:s7+$0xFFFFFFC0];
	p0 =	slt.u32 s6, $0xF80  }
0x10e: {  	s5 =	sadd.s32 $0x80, s5;
	v10 =	vld [tilespmem:s7+$0xFFFFFFD0]  }
0x10f: {  	v11 =	vld [tilespmem:s5+$0x30]  }
0x110: {  	v12 =	vld [tilespmem:s7+$0xFFFFFFE0]  }
0x111: {  	v13 =	vld [tilespmem:s7+$0xFFFFFFF0]  }
0x112: {  	v14 =	vld [tilespmem:s7+$0x0]  }
0x113: {  	v15 =	vld [tilespmem:s7+$0x10]  }
0x114: {  	[tilespmem:v8+s4+$0x0] =	vst.idx.add.f32.msk $0xffff, v11;
	v0 =	vadd.f32 v11, v0  }
0x115: {  	v8 =	vld [tilespmem:s7+$0x20]  }
0x116: {  	v11 =	vld [tilespmem:s5+$0xFFFFFFD0]  }
0x117: {  	v16 =	vld [tilespmem:s5+$0xFFFFFFE0]  }
0x118: {  	v17 =	vld [tilespmem:s5+$0xFFFFFFF0]  }
0x119: {  	v18 =	vld [tilespmem:s5+$0x0]  }
0x11a: {  	v19 =	vld [tilespmem:s5+$0x10]  }
0x11b: {  	v7 =	vadd.f32 v11, v7;
	v20 =	vld [tilespmem:s5+$0x20]  }
0x11c: {  	v21 =	vld [tilespmem:s5+$0xFFFFFFC0];
	v6 =	vadd.f32 v16, v6  }
0x11d: {  	[tilespmem:v10+s4+$0x0] =	vst.idx.add.f32.msk $0xffff, v11;
	v5 =	vadd.f32 v17, v5  }
0x11e: {  	[tilespmem:v12+s4+$0x0] =	vst.idx.add.f32.msk $0xffff, v16;
	v4 =	vadd.f32 v18, v4  }
.Ltmp5:
0x11f: {  	[tilespmem:v13+s4+$0x0] =	vst.idx.add.f32.msk $0xffff, v17;
	v2 =	vadd.f32 v19, v2;
	(pc) =	sbr.rel @p0 .LBB2_12-.Ltmp5, $4  }
0x120: {  	[tilespmem:v14+s4+$0x0] =	vst.idx.add.f32.msk $0xffff, v18;
	v1 =	vadd.f32 v20, v1  }
0x121: {  	[tilespmem:v9+s4+$0x0] =	vst.idx.add.f32.msk $0xffff, v21;
	v3 =	vadd.f32 v21, v3  }
0x122: {  	[tilespmem:v15+s4+$0x0] =	vst.idx.add.f32.msk $0xffff, v19  }
0x123: {  	s7 =	sadd.s32 $0x80, s7;
	[tilespmem:v8+s4+$0x0] =	vst.idx.add.f32.msk $0xffff, v20  }
0x124: {  	[tilespmem:s19], [sflag:$0x1] =	stream.linear.gather [hbm4b:s14+s4], $0x1000, $0x38;
	[tilespmem:$0x1E780] =	vst v63  }
0x125: {  	_ = 	snop  }
0x126: {  	[tilespmem:s20], [sflag:$0x2] =	stream.linear.gather [hbm4b:s15+s4], $0x1000, $0x38;
	[tilespmem:$0x1E780] =	vst v63  }
0x127: {  	_ =	swait.ge [sflag:s28], $0x1000  }
0x128: {  	[sflag:s28] =	ssyncset.done $0x0  }
0x129: {  	[sflag:s28] =	ssyncadd.s32 $0xFFFFF000  }
0x12a: {  	_ =	swait.ge [sflag:s29], $0x1000  }
0x12b: {  	[sflag:s29] =	ssyncset.done $0x0  }
0x12c: {  	s6 =	simm.s32 $0x197C0;
	[sflag:s29] =	ssyncadd.s32 $0xFFFFF000  }
0x12d: {  	v8 =	vld [tilespmem:s6+$0x30]  }
0x12e: {  	v9 =	vld [tilespmem:s6+$0xFFFFFFC0]  }
0x12f: {  	s5 =	simm.s32 $0x1C7C0;
	v10 =	vld [tilespmem:s6+$0xFFFFFFD0]  }
0x130: {  	v11 =	vld [tilespmem:s5+$0x30]  }
0x131: {  	v12 =	vld [tilespmem:s6+$0xFFFFFFE0]  }
0x132: {  	v13 =	vld [tilespmem:s6+$0xFFFFFFF0]  }
0x133: {  	v14 =	vld [tilespmem:s6+$0x0]  }
0x134: {  	v15 =	vld [tilespmem:s6+$0x10]  }
0x135: {  	v16 =	vld [tilespmem:s5+$0xFFFFFFD0]  }
0x136: {  	v17 =	vld [tilespmem:s5+$0xFFFFFFE0]  }
0x137: {  	v18 =	vld [tilespmem:s5+$0xFFFFFFF0]  }
0x138: {  	v19 =	vld [tilespmem:s5+$0x0]  }
0x139: {  	v20 =	vld [tilespmem:s5+$0x10]  }
0x13a: {  	v21 =	vld [tilespmem:s5+$0xFFFFFFC0]  }
0x13b: {  	[tilespmem:v8+s4+$0x0] =	vst.idx.add.f32.msk $0xffff, v11  }
0x13c: {  	v8 =	vld [tilespmem:s6+$0x20]  }
0x13d: {  	v63 =	vld [tilespmem:s5+$0x20]  }
0x13e: {  	[tilespmem:v10+s4+$0x0] =	vst.idx.add.f32.msk $0xffff, v16  }
0x13f: {  	[tilespmem:v12+s4+$0x0] =	vst.idx.add.f32.msk $0xffff, v17  }
0x140: {  	[tilespmem:v13+s4+$0x0] =	vst.idx.add.f32.msk $0xffff, v18  }
0x141: {  	v0 =	vadd.f32 v11, v0;
	v7 =	vadd.f32 v16, v7;
	[tilespmem:v14+s4+$0x0] =	vst.idx.add.f32.msk $0xffff, v19  }
0x142: {  	v6 =	vadd.f32 v17, v6;
	v5 =	vadd.f32 v18, v5;
	[tilespmem:v9+s4+$0x0] =	vst.idx.add.f32.msk $0xffff, v21  }
0x143: {  	v4 =	vadd.f32 v19, v4;
	v2 =	vadd.f32 v20, v2;
	[tilespmem:v15+s4+$0x0] =	vst.idx.add.f32.msk $0xffff, v20  }
0x144: {  	s7 =	simm.s32 $0x19840;
	v1 =	vadd.f32 v63, v1;
	v3 =	vadd.f32 v21, v3;
	s6 =	simm.s32 $0x0;
	[tilespmem:v8+s4+$0x0] =	vst.idx.add.f32.msk $0xffff, v63  }
.LBB2_14:
0x145: {  	v8 =	vld [tilespmem:s7+$0x30];
	s6 =	sadd.s32 $0x80, s6  }
0x146: {  	v9 =	vld [tilespmem:s7+$0xFFFFFFC0];
	p0 =	slt.u32 s6, $0xF80  }
0x147: {  	s5 =	sadd.s32 $0x80, s5;
	v10 =	vld [tilespmem:s7+$0xFFFFFFD0]  }
0x148: {  	v11 =	vld [tilespmem:s5+$0x30]  }
0x149: {  	v12 =	vld [tilespmem:s7+$0xFFFFFFE0]  }
0x14a: {  	v13 =	vld [tilespmem:s7+$0xFFFFFFF0]  }
0x14b: {  	v14 =	vld [tilespmem:s7+$0x0]  }
0x14c: {  	v15 =	vld [tilespmem:s7+$0x10]  }
0x14d: {  	[tilespmem:v8+s4+$0x0] =	vst.idx.add.f32.msk $0xffff, v11;
	v0 =	vadd.f32 v11, v0  }
0x14e: {  	v8 =	vld [tilespmem:s7+$0x20]  }
0x14f: {  	v11 =	vld [tilespmem:s5+$0xFFFFFFD0]  }
0x150: {  	v16 =	vld [tilespmem:s5+$0xFFFFFFE0]  }
0x151: {  	v17 =	vld [tilespmem:s5+$0xFFFFFFF0]  }
0x152: {  	v18 =	vld [tilespmem:s5+$0x0]  }
0x153: {  	v19 =	vld [tilespmem:s5+$0x10]  }
0x154: {  	v7 =	vadd.f32 v11, v7;
	v20 =	vld [tilespmem:s5+$0x20]  }
0x155: {  	v21 =	vld [tilespmem:s5+$0xFFFFFFC0];
	v6 =	vadd.f32 v16, v6  }
0x156: {  	[tilespmem:v10+s4+$0x0] =	vst.idx.add.f32.msk $0xffff, v11;
	v5 =	vadd.f32 v17, v5  }
0x157: {  	[tilespmem:v12+s4+$0x0] =	vst.idx.add.f32.msk $0xffff, v16;
	v4 =	vadd.f32 v18, v4  }
.Ltmp6:
0x158: {  	[tilespmem:v13+s4+$0x0] =	vst.idx.add.f32.msk $0xffff, v17;
	v2 =	vadd.f32 v19, v2;
	(pc) =	sbr.rel @p0 .LBB2_14-.Ltmp6, $4  }
0x159: {  	[tilespmem:v14+s4+$0x0] =	vst.idx.add.f32.msk $0xffff, v18;
	v1 =	vadd.f32 v20, v1  }
0x15a: {  	[tilespmem:v9+s4+$0x0] =	vst.idx.add.f32.msk $0xffff, v21;
	v3 =	vadd.f32 v21, v3  }
0x15b: {  	[tilespmem:v15+s4+$0x0] =	vst.idx.add.f32.msk $0xffff, v19  }
0x15c: {  	s7 =	sadd.s32 $0x80, s7;
	[tilespmem:v8+s4+$0x0] =	vst.idx.add.f32.msk $0xffff, v20  }
0x15d: {  	_ =	swait.ge [sflag:s30], $0x1000  }
0x15e: {  	[sflag:s30] =	ssyncset.done $0x0  }
0x15f: {  	[sflag:s30] =	ssyncadd.s32 $0xFFFFF000  }
0x160: {  	_ =	swait.ge [sflag:s31], $0x1000  }
0x161: {  	[sflag:s31] =	ssyncset.done $0x0  }
0x162: {  	s6 =	simm.s32 $0x1A7C0;
	[sflag:s31] =	ssyncadd.s32 $0xFFFFF000  }
0x163: {  	v8 =	vld [tilespmem:s6+$0x30]  }
0x164: {  	v9 =	vld [tilespmem:s6+$0xFFFFFFC0]  }
0x165: {  	s5 =	simm.s32 $0x1D7C0;
	v10 =	vld [tilespmem:s6+$0xFFFFFFD0]  }
0x166: {  	v11 =	vld [tilespmem:s5+$0x30]  }
0x167: {  	v12 =	vld [tilespmem:s6+$0xFFFFFFE0]  }
0x168: {  	v13 =	vld [tilespmem:s6+$0xFFFFFFF0]  }
0x169: {  	v14 =	vld [tilespmem:s6+$0x0]  }
0x16a: {  	v15 =	vld [tilespmem:s6+$0x10]  }
0x16b: {  	v16 =	vld [tilespmem:s5+$0xFFFFFFD0]  }
0x16c: {  	v17 =	vld [tilespmem:s5+$0xFFFFFFE0]  }
0x16d: {  	v18 =	vld [tilespmem:s5+$0xFFFFFFF0]  }
0x16e: {  	v19 =	vld [tilespmem:s5+$0x0]  }
0x16f: {  	v20 =	vld [tilespmem:s5+$0x10]  }
0x170: {  	v21 =	vld [tilespmem:s5+$0xFFFFFFC0]  }
0x171: {  	[tilespmem:v8+s4+$0x0] =	vst.idx.add.f32.msk $0xffff, v11  }
0x172: {  	v8 =	vld [tilespmem:s6+$0x20]  }
0x173: {  	v63 =	vld [tilespmem:s5+$0x20]  }
0x174: {  	[tilespmem:v10+s4+$0x0] =	vst.idx.add.f32.msk $0xffff, v16  }
0x175: {  	[tilespmem:v12+s4+$0x0] =	vst.idx.add.f32.msk $0xffff, v17  }
0x176: {  	[tilespmem:v13+s4+$0x0] =	vst.idx.add.f32.msk $0xffff, v18  }
0x177: {  	v0 =	vadd.f32 v11, v0;
	v7 =	vadd.f32 v16, v7;
	[tilespmem:v14+s4+$0x0] =	vst.idx.add.f32.msk $0xffff, v19  }
0x178: {  	v6 =	vadd.f32 v17, v6;
	v5 =	vadd.f32 v18, v5;
	[tilespmem:v9+s4+$0x0] =	vst.idx.add.f32.msk $0xffff, v21  }
0x179: {  	v4 =	vadd.f32 v19, v4;
	v2 =	vadd.f32 v20, v2;
	[tilespmem:v15+s4+$0x0] =	vst.idx.add.f32.msk $0xffff, v20  }
0x17a: {  	s7 =	simm.s32 $0x1A840;
	v1 =	vadd.f32 v63, v1;
	v3 =	vadd.f32 v21, v3;
	s6 =	simm.s32 $0x0;
	[tilespmem:v8+s4+$0x0] =	vst.idx.add.f32.msk $0xffff, v63  }
.LBB2_16:
0x17b: {  	v8 =	vld [tilespmem:s7+$0x30];
	s6 =	sadd.s32 $0x80, s6  }
0x17c: {  	v9 =	vld [tilespmem:s7+$0xFFFFFFC0];
	p0 =	slt.u32 s6, $0xF80  }
0x17d: {  	s5 =	sadd.s32 $0x80, s5;
	v10 =	vld [tilespmem:s7+$0xFFFFFFD0]  }
0x17e: {  	v11 =	vld [tilespmem:s5+$0x30]  }
0x17f: {  	v12 =	vld [tilespmem:s7+$0xFFFFFFE0]  }
0x180: {  	v13 =	vld [tilespmem:s7+$0xFFFFFFF0]  }
0x181: {  	v14 =	vld [tilespmem:s7+$0x0]  }
0x182: {  	v15 =	vld [tilespmem:s7+$0x10]  }
0x183: {  	[tilespmem:v8+s4+$0x0] =	vst.idx.add.f32.msk $0xffff, v11;
	v0 =	vadd.f32 v11, v0  }
0x184: {  	v8 =	vld [tilespmem:s7+$0x20]  }
0x185: {  	v11 =	vld [tilespmem:s5+$0xFFFFFFD0]  }
0x186: {  	v16 =	vld [tilespmem:s5+$0xFFFFFFE0]  }
0x187: {  	v17 =	vld [tilespmem:s5+$0xFFFFFFF0]  }
0x188: {  	v18 =	vld [tilespmem:s5+$0x0]  }
0x189: {  	v19 =	vld [tilespmem:s5+$0x10]  }
0x18a: {  	v7 =	vadd.f32 v11, v7;
	v20 =	vld [tilespmem:s5+$0x20]  }
0x18b: {  	v21 =	vld [tilespmem:s5+$0xFFFFFFC0];
	v6 =	vadd.f32 v16, v6  }
0x18c: {  	[tilespmem:v10+s4+$0x0] =	vst.idx.add.f32.msk $0xffff, v11;
	v5 =	vadd.f32 v17, v5  }
0x18d: {  	[tilespmem:v12+s4+$0x0] =	vst.idx.add.f32.msk $0xffff, v16;
	v4 =	vadd.f32 v18, v4  }
.Ltmp7:
0x18e: {  	[tilespmem:v13+s4+$0x0] =	vst.idx.add.f32.msk $0xffff, v17;
	v2 =	vadd.f32 v19, v2;
	(pc) =	sbr.rel @p0 .LBB2_16-.Ltmp7, $4  }
0x18f: {  	[tilespmem:v14+s4+$0x0] =	vst.idx.add.f32.msk $0xffff, v18;
	v1 =	vadd.f32 v20, v1  }
0x190: {  	[tilespmem:v9+s4+$0x0] =	vst.idx.add.f32.msk $0xffff, v21;
	v3 =	vadd.f32 v21, v3  }
0x191: {  	[tilespmem:v15+s4+$0x0] =	vst.idx.add.f32.msk $0xffff, v19  }
0x192: {  	s7 =	sadd.s32 $0x80, s7;
	[tilespmem:v8+s4+$0x0] =	vst.idx.add.f32.msk $0xffff, v20  }
0x193: {  	_ =	swait.ge [sflag:s25], $0x1000  }
0x194: {  	[sflag:s25] =	ssyncset.done $0x0  }
0x195: {  	[sflag:s25] =	ssyncadd.s32 $0xFFFFF000  }
0x196: {  	_ =	swait.ge [sflag:s26], $0x1000  }
0x197: {  	[sflag:s26] =	ssyncset.done $0x0  }
0x198: {  	s6 =	simm.s32 $0x187C0;
	[sflag:s26] =	ssyncadd.s32 $0xFFFFF000  }
0x199: {  	v8 =	vld [tilespmem:s6+$0x30]  }
0x19a: {  	v9 =	vld [tilespmem:s6+$0xFFFFFFC0]  }
0x19b: {  	s5 =	simm.s32 $0x1B7C0;
	v10 =	vld [tilespmem:s6+$0xFFFFFFD0]  }
0x19c: {  	v11 =	vld [tilespmem:s5+$0x30]  }
0x19d: {  	v12 =	vld [tilespmem:s6+$0xFFFFFFE0]  }
0x19e: {  	v13 =	vld [tilespmem:s6+$0xFFFFFFF0]  }
0x19f: {  	v14 =	vld [tilespmem:s6+$0x0]  }
0x1a0: {  	v15 =	vld [tilespmem:s6+$0x10]  }
0x1a1: {  	v16 =	vld [tilespmem:s5+$0xFFFFFFD0]  }
0x1a2: {  	v17 =	vld [tilespmem:s5+$0xFFFFFFE0]  }
0x1a3: {  	v18 =	vld [tilespmem:s5+$0xFFFFFFF0]  }
0x1a4: {  	v19 =	vld [tilespmem:s5+$0x0]  }
0x1a5: {  	v20 =	vld [tilespmem:s5+$0x10]  }
0x1a6: {  	v21 =	vld [tilespmem:s5+$0xFFFFFFC0]  }
0x1a7: {  	[tilespmem:v8+s4+$0x0] =	vst.idx.add.f32.msk $0xffff, v11  }
0x1a8: {  	v8 =	vld [tilespmem:s6+$0x20]  }
0x1a9: {  	v63 =	vld [tilespmem:s5+$0x20]  }
0x1aa: {  	[tilespmem:v10+s4+$0x0] =	vst.idx.add.f32.msk $0xffff, v16  }
0x1ab: {  	[tilespmem:v12+s4+$0x0] =	vst.idx.add.f32.msk $0xffff, v17  }
0x1ac: {  	[tilespmem:v13+s4+$0x0] =	vst.idx.add.f32.msk $0xffff, v18  }
0x1ad: {  	v0 =	vadd.f32 v11, v0;
	v7 =	vadd.f32 v16, v7;
	[tilespmem:v14+s4+$0x0] =	vst.idx.add.f32.msk $0xffff, v19  }
0x1ae: {  	v6 =	vadd.f32 v17, v6;
	v5 =	vadd.f32 v18, v5;
	[tilespmem:v9+s4+$0x0] =	vst.idx.add.f32.msk $0xffff, v21  }
0x1af: {  	v4 =	vadd.f32 v19, v4;
	v2 =	vadd.f32 v20, v2;
	[tilespmem:v15+s4+$0x0] =	vst.idx.add.f32.msk $0xffff, v20  }
0x1b0: {  	s7 =	simm.s32 $0x18840;
	v1 =	vadd.f32 v63, v1;
	v3 =	vadd.f32 v21, v3;
	s6 =	simm.s32 $0x0;
	[tilespmem:v8+s4+$0x0] =	vst.idx.add.f32.msk $0xffff, v63  }
.LBB2_18:
0x1b1: {  	v8 =	vld [tilespmem:s7+$0x30];
	s6 =	sadd.s32 $0x80, s6  }
0x1b2: {  	v9 =	vld [tilespmem:s7+$0xFFFFFFC0];
	p0 =	slt.u32 s6, $0xF80  }
0x1b3: {  	s5 =	sadd.s32 $0x80, s5;
	v10 =	vld [tilespmem:s7+$0xFFFFFFD0]  }
0x1b4: {  	v11 =	vld [tilespmem:s5+$0x30]  }
0x1b5: {  	v12 =	vld [tilespmem:s7+$0xFFFFFFE0]  }
0x1b6: {  	v13 =	vld [tilespmem:s7+$0xFFFFFFF0]  }
0x1b7: {  	v14 =	vld [tilespmem:s7+$0x0]  }
0x1b8: {  	v15 =	vld [tilespmem:s7+$0x10]  }
0x1b9: {  	[tilespmem:v8+s4+$0x0] =	vst.idx.add.f32.msk $0xffff, v11;
	v0 =	vadd.f32 v11, v0  }
0x1ba: {  	v8 =	vld [tilespmem:s7+$0x20]  }
0x1bb: {  	v11 =	vld [tilespmem:s5+$0xFFFFFFD0]  }
0x1bc: {  	v16 =	vld [tilespmem:s5+$0xFFFFFFE0]  }
0x1bd: {  	v17 =	vld [tilespmem:s5+$0xFFFFFFF0]  }
0x1be: {  	v18 =	vld [tilespmem:s5+$0x0]  }
0x1bf: {  	v19 =	vld [tilespmem:s5+$0x10]  }
0x1c0: {  	v7 =	vadd.f32 v11, v7;
	v20 =	vld [tilespmem:s5+$0x20]  }
0x1c1: {  	v21 =	vld [tilespmem:s5+$0xFFFFFFC0];
	v6 =	vadd.f32 v16, v6  }
0x1c2: {  	[tilespmem:v10+s4+$0x0] =	vst.idx.add.f32.msk $0xffff, v11;
	v5 =	vadd.f32 v17, v5  }
0x1c3: {  	[tilespmem:v12+s4+$0x0] =	vst.idx.add.f32.msk $0xffff, v16;
	v4 =	vadd.f32 v18, v4  }
.Ltmp8:
0x1c4: {  	[tilespmem:v13+s4+$0x0] =	vst.idx.add.f32.msk $0xffff, v17;
	v2 =	vadd.f32 v19, v2;
	(pc) =	sbr.rel @p0 .LBB2_18-.Ltmp8, $4  }
0x1c5: {  	[tilespmem:v14+s4+$0x0] =	vst.idx.add.f32.msk $0xffff, v18;
	v1 =	vadd.f32 v20, v1  }
0x1c6: {  	[tilespmem:v9+s4+$0x0] =	vst.idx.add.f32.msk $0xffff, v21;
	v3 =	vadd.f32 v21, v3  }
0x1c7: {  	[tilespmem:v15+s4+$0x0] =	vst.idx.add.f32.msk $0xffff, v19  }
0x1c8: {  	s7 =	sadd.s32 $0x80, s7;
	[tilespmem:v8+s4+$0x0] =	vst.idx.add.f32.msk $0xffff, v20  }
0x1c9: {  	v3 =	vadd.f32 v7, v3;
	v5 =	vadd.f32 v5, v6  }
0x1ca: {  	v2 =	vadd.f32 v2, v4;
	v0 =	vadd.f32 v0, v1;
	_ =	sdelay $0x1  }
0x1cb: {  	v63 =	vadd.f32 v5, v3;
	v0 =	vadd.f32 v0, v2;
	_ =	sdelay $0x1  }
0x1cc: {  	v0 =	vadd.f32 v0, v63;
	_ =	sdelay $0x1  }
0x1cd: {  	s5 =	simm.s32 $0x80;
	s6 =	simm.s32 $0x400;
	[tilespmem:$0x18700] =	vst v0  }
0x1ce: {  	[hbm4b:s16+s5] =	stream.strided.scatter [tilespmem:s4], [sflag:$0x7], $0x18700, s6, s5, $0x38;
	[tilespmem:$0x1E780] =	vst v63  }
0x1cf: {  	s0 =	sadd.s32 $0x1, s0;
	_ =	swait.ge [sflag:s3], $0x18700  }
0x1d0: {  	p0 =	sne.s32 s0, s18;
	[sflag:s3] =	ssyncset.done $0x0  }
.Ltmp9:
0x1d1: {  	s9 =	simm.s32 $0x18700;
	[sflag:s3] =	ssyncadd.s32 $0xFFFE7900;
	(pc) =	sbr.rel @p0 .LBB2_1-.Ltmp9, $4  }
0x1d2: {  	[hbm4b:s17+s4] =	stream.linear.scatter [tilespmem:s9], [sflag:$0x7], $0x80, $0x38;
	[tilespmem:$0x1E780] =	vst v63  }
0x1d3: {  	_ =	swait.ge [sflag:s3], $0x80  }
0x1d4: {  	[sflag:s3] =	ssyncset.done $0x0  }
0x1d5: {  	[sflag:s3] =	ssyncadd.s32 $0xFFFFFF80  }
0x1d6: {  	_ =	sfence.sel $0x180000  }
0x1d7: {  	[bflag:$0x0] =	sbarrier.arrive $0xFFFF  }
0x1d8: {  	_ =	strace $0x90000047  }
0x1d9: {  	s0 =	stileid.u32;
	[bflag:$0x2] =	sbarrier.arrive $0xFFFF  }
0x1da: {  	p0 =	sne.s32 s0, $0x0;
	s0 =	rddreg [dreg:$0x4]  }
0x1db: {  	s0 =	sadd.s32 @!p0 $0x100000, s0  }
0x1dc: {  	[sflag:s0] =	ssyncadd.tile.s32 @!p0 $0x1;
	_ =	shalt  }
.Lfunc_end2:
_tile_overlayer_lowered:
.L_overlay_start_2:
0x1dd: {  	(tag) =	ssettag $0x2  }
0x1de: {  	s0 =	rddreg [dreg:$0x0];
	s2 =	stileid.u32  }
0x1df: {  	s1 =	rddreg [dreg:$0x1];
	p0 =	sne.s32 s2, $0x0  }
0x1e0: {  	s3 =	rddreg [dreg:$0x2];
	[bflag:$0x3] =	sbarrier.arrive $0xFFFF;
	s2 =	simm.s32 @!p0 $0x1C07  }
0x1e1: {  	[timem:s3], [sflag:s2] =	dma.local @!p0 [hbm:s0], s1  }
0x1e2: {  	s0 =	simm.s32 @!p0 $0x7  }
0x1e3: {  	_ =	swait.ge @!p0 [sflag:s0], s1  }
0x1e4: {  	s1 =	ssub.s32 @!p0 $0x0, s1;
	[sflag:s0] =	ssyncset.done @!p0 $0x0  }
0x1e5: {  	[sflag:s0] =	ssyncadd.s32 @!p0 s1  }
0x1e6: {  	[bflag:$0x3] =	sbarrier.arrive $0xFFFF  }
0x1e7: {  	_ =	shalt  }

</sc_bundles>
